<compile_context>
chip_gen: v7x
topology: tpu7x:2x2x1
jax: 0.10.2.dev20260603
libtpu: 0.0.44.dev20260713+nightly
codegen_flags: <defaults>
</compile_context>

<pallas_src>
import functools

import jax
import jax.numpy as jnp
from jax import lax
from jax.experimental import pallas as pl
from jax.experimental.pallas import tpu as pltpu
from jax.experimental.pallas import tpu_sc as plsc

F = 1024
B = 1024
K = 16
OUTW = F * K + 1
RB = 256

NC, NS, L = 2, 16, 16
NW = NC * NS
RPW = B // NW
NCH = OUTW // L + 1
NIDX = NCH * L


def _topk_body(coords_blk_ref, coords_ref, idx_ref):
    a = coords_blk_ref[...]
    c = coords_ref[...]
    g = lax.dot_general(c, a, (((0,), (0,)), ((), ())),
                        preferred_element_type=jnp.float32)
    xx = jnp.sum(c * c, axis=0)
    xa = jnp.sum(a * a, axis=0)
    d = g * -2.0
    d = d + xx[:, None]
    d = d + xa[None, :]
    d = jnp.maximum(d, 0.0)
    d = jnp.sqrt(d)

    rows = lax.broadcasted_iota(jnp.int32, (F, RB), 0)
    picks = []
    for _ in range(K):
        m = jnp.min(d, axis=0, keepdims=True)
        cand = jnp.where(d == m, rows, F)
        amin = jnp.min(cand, axis=0, keepdims=True)
        picks.append(amin)
        d = jnp.where(rows == amin, jnp.inf, d)
    idx_ref[...] = jnp.concatenate(picks, axis=0)


def _topk(coordinates):
    return pl.pallas_call(
        _topk_body,
        grid=(F // RB,),
        in_specs=[
            pl.BlockSpec((64, RB), lambda i: (0, i)),
            pl.BlockSpec((64, F), lambda i: (0, 0)),
        ],
        out_specs=pl.BlockSpec((K, RB), lambda i: (0, i)),
        out_shape=jax.ShapeDtypeStruct((K, F), jnp.int32),
    )(coordinates, coordinates)


G = 2
NSPLIT = 2
BS = B // NSPLIT
RPWS = BS // NW
NG = RPWS // G


def _gather_body(x_hbm, idx_hbm, out_hbm, idx_v, tab_v, row_v, sem0, sem1,
                 *, rows0):
    wid = lax.axis_index("s") * NC + lax.axis_index("c")
    base = wid * RPWS
    pltpu.sync_copy(idx_hbm, idx_v)
    pltpu.sync_copy(x_hbm.at[pl.ds((rows0 + base) * F, RPWS * F)], tab_v)
    sems = (sem0, sem1)

    def out_dma(g, b):
        copies = []
        for rr in range(G):
            src = row_v.at[pl.ds((b * G + rr) * NIDX, OUTW)]
            dst = out_hbm.at[base + g * G + rr]
            copies.append(pltpu.make_async_copy(src, dst, sems[b]))
        return copies

    def k_body(k, _):
        for b in range(2):
            g = k * 2 + b

            @pl.when(k > 0)
            def _wait():
                for c in out_dma(g - 2, b):
                    c.wait()

            r0 = (g * G) * F
            r1 = (g * G + 1) * F
            o0 = b * G * NIDX
            o1 = (b * G + 1) * NIDX

            @plsc.parallel_loop(0, NCH, unroll=8)
            def _chunk(j):
                ids = idx_v[pl.ds(j * L, L)]
                row_v[pl.ds(o0 + j * L, L)] = plsc.load_gather(tab_v, [ids + r0])
                row_v[pl.ds(o1 + j * L, L)] = plsc.load_gather(tab_v, [ids + r1])

            for c in out_dma(g, b):
                c.start()
        return 0

    lax.fori_loop(0, NG // 2, k_body, 0)
    for b in range(2):
        for c in out_dma(NG - 2 + b, b):
            c.wait()


def _gather(x, full_idx, rows0):
    mesh = plsc.VectorSubcoreMesh(core_axis_name="c", subcore_axis_name="s")
    kern = functools.partial(
        pl.kernel,
        mesh=mesh,
        out_type=jax.ShapeDtypeStruct((BS, OUTW), jnp.float32),
        scratch_types=[
            pltpu.VMEM((NIDX,), jnp.int32),
            pltpu.VMEM((RPWS * F,), jnp.float32),
            pltpu.VMEM((2 * G * NIDX,), jnp.float32),
            pltpu.SemaphoreType.DMA,
            pltpu.SemaphoreType.DMA,
        ],
        compiler_params=pltpu.CompilerParams(
            use_tc_tiling_on_sc=False, needs_layout_passes=False),
    )(functools.partial(_gather_body, rows0=rows0))
    return kern(x, full_idx)


def kernel(inputs, coordinates):
    idx = _topk(coordinates)
    flat = idx.T.reshape(-1)
    full_idx = jnp.concatenate(
        [jnp.zeros((1,), jnp.int32), flat,
         jnp.full((NIDX - OUTW,), flat[-1], jnp.int32)])
    x1d = inputs.reshape(-1)
    parts = [
        lax.reshape(_gather(x1d, full_idx, s * BS), (BS, 1, OUTW, 1))
        for s in range(NSPLIT)
    ]
    return lax.concatenate(parts, 0)

# --- scband reference (transcript-rebuilt; emitter-appended) ---
"""Pipeline reference for scband-phylo-neighbours-59906203845290 (READ-ONLY COPY).

The authoritative reference and input builder live on the scoring server;
editing this copy changes nothing except your own understanding.
"""

import jax, jax.numpy as jnp
import numpy as np

NB_NEIGHBORS = 16
NB_FEATURES = 1024


def _euclidean_distances(X):
    XX = jnp.expand_dims(jnp.sum(jnp.square(X), axis=1), 0)
    YY = XX.T
    d = jnp.dot(X, X.T)
    d = d * -2.0
    d = d + XX
    d = d + YY
    d = jnp.maximum(d, jnp.asarray(0.0, dtype=d.dtype))
    return jnp.sqrt(d)


def setup_inputs(seed: int = 0) -> dict:
    key = jax.random.key(seed)
    k1, k2 = jax.random.split(key)
    inputs = jax.random.normal(k1, (1024, NB_FEATURES), dtype=jnp.float32)
    coordinates = jax.random.normal(k2, (64, NB_FEATURES), dtype=jnp.float32)
    return {"inputs": inputs, "coordinates": coordinates}


def reference(inputs, coordinates):
    # dist between features, using columns of `coordinates` as feature coords
    dist = _euclidean_distances(coordinates.T)  # [F, F]
    _, neighbor_indexes = jax.lax.top_k(-dist, NB_NEIGHBORS)  # [F, k]
    # Original loop order: feature 0's k neighbors, then feature 1..F-1's k neighbors
    flat_idx = neighbor_indexes.reshape(-1)  # [F*k]
    first = inputs[:, 0:1]  # leading column inputs[:, 0]
    gathered = jnp.take(inputs, flat_idx, axis=1)  # [B, F*k]
    output = jnp.concatenate([first, gathered], axis=1)  # [B, 1 + F*k]
    output = jnp.expand_dims(output, 1)
    output = jnp.expand_dims(output, 3)
    return output  # [B, 1, 1 + F*k, 1]

if __name__ == "__main__":
    import jax
    _d = setup_inputs()
    print(jax.jit(kernel)(*tuple(_d.values())))

</pallas_src>

<mosaic_0001>
#map = affine_map<(d0, d1) -> (0)>
#map1 = affine_map<(d0, d1) -> (0, 0)>
module attributes {stable_mosaic.version = 14 : i64} {
  func.func @_gather_body(%arg0: i32, %arg1: i32, %arg2: memref<1048576xf32, #tpu.memory_space<hbm>>, %arg3: memref<16400xi32, #tpu.memory_space<hbm>>, %arg4: memref<512x16385xf32, #tpu.memory_space<hbm>>, %arg5: memref<16400xi32, #tpu.memory_space<vmem>>, %arg6: memref<16384xf32, #tpu.memory_space<vmem>>, %arg7: memref<65600xf32, #tpu.memory_space<vmem>>, %arg8: memref<!tpu.dma_semaphore, #tpu.memory_space<semaphore_mem>>, %arg9: memref<!tpu.dma_semaphore, #tpu.memory_space<semaphore_mem>>) attributes {dimension_semantics = [#tpu.dimension_semantics<core_parallel>, #tpu.dimension_semantics<subcore_parallel>], iteration_bounds = array<i64: 2, 16>, scalar_prefetch = 0 : i64, scratch_operands = 5 : i64, tpu.core_type = #tpu.core_type<sc_vector_subcore>, window_params = [{transform_indices = #map}, {transform_indices = #map}, {transform_indices = #map1}]} {
    %mul3A = arith.constant 2 : i32
    %mul3A_0 = arith.muli %arg1, %mul3A : i32
    %add3A = arith.addi %mul3A_0, %arg0 : i32
    %mul3A_1 = arith.constant 16 : i32
    %mul3A_2 = arith.muli %add3A, %mul3A_1 : i32
    "tpu.region"() ({
      %run_scoped3A = tpu.sem_alloc : memref<!tpu.dma_semaphore, #tpu.memory_space<semaphore_mem>>
      tpu.enqueue_dma source(%arg3 : memref<16400xi32, #tpu.memory_space<hbm>>) target(%arg5 : memref<16400xi32, #tpu.memory_space<vmem>>) target_semaphore(%run_scoped3A : memref<!tpu.dma_semaphore, #tpu.memory_space<semaphore_mem>>)
      tpu.wait_dma2 semaphore(%run_scoped3A : memref<!tpu.dma_semaphore, #tpu.memory_space<semaphore_mem>>) src(%arg3 : memref<16400xi32, #tpu.memory_space<hbm>>) dst(%arg5 : memref<16400xi32, #tpu.memory_space<vmem>>)
      tpu.yield
    }) : () -> ()
    %add3A_3 = arith.constant 512 : i32
    %add3A_4 = arith.addi %add3A_3, %mul3A_2 : i32
    %mul3A_5 = arith.constant 1024 : i32
    %mul3A_6 = arith.muli %add3A_4, %mul3A_5 : i32
    "tpu.region"() ({
      %run_scoped3A = tpu.sem_alloc : memref<!tpu.dma_semaphore, #tpu.memory_space<semaphore_mem>>
      %dma_start3A = tpu.memref_slice %arg2[%mul3A_6] : memref<1048576xf32, #tpu.memory_space<hbm>> -> memref<16384xf32, #tpu.memory_space<hbm>>
      %dma_start3A_68 = tpu.memref_slice %arg2[%mul3A_6] : memref<1048576xf32, #tpu.memory_space<hbm>> -> memref<16384xf32, #tpu.memory_space<hbm>>
      tpu.enqueue_dma source(%dma_start3A_68 : memref<16384xf32, #tpu.memory_space<hbm>>) target(%arg6 : memref<16384xf32, #tpu.memory_space<vmem>>) target_semaphore(%run_scoped3A : memref<!tpu.dma_semaphore, #tpu.memory_space<semaphore_mem>>)
      %dma_wait3A_69 = tpu.memref_slice %arg2[%mul3A_6] : memref<1048576xf32, #tpu.memory_space<hbm>> -> memref<16384xf32, #tpu.memory_space<hbm>>
      %dma_wait3A_70 = tpu.memref_slice %arg2[%mul3A_6] : memref<1048576xf32, #tpu.memory_space<hbm>> -> memref<16384xf32, #tpu.memory_space<hbm>>
      tpu.wait_dma2 semaphore(%run_scoped3A : memref<!tpu.dma_semaphore, #tpu.memory_space<semaphore_mem>>) src(%dma_wait3A_70 : memref<16384xf32, #tpu.memory_space<hbm>>) dst(%arg6 : memref<16384xf32, #tpu.memory_space<vmem>>)
      tpu.yield
    }) : () -> ()
    %scan3A = arith.constant 0 : i32
    %scan3A_7 = arith.constant 0 : i32
    %scan3A_8 = arith.constant 4 : i32
    %scan3A_9 = arith.addi %scan3A_7, %scan3A_8 : i32
    %scan3A_10 = arith.constant 1 : i32
    %scan3A_11 = scf.for %scan3A_68 = %scan3A_7 to %scan3A_9 step %scan3A_10 iter_args(%scan3A_69 = %scan3A) -> (i32)  : i32 {
      %mul3A_70 = arith.constant 2 : i32
      %mul3A_71 = arith.muli %scan3A_68, %mul3A_70 : i32
      %add3A_72 = arith.constant 0 : i32
      %add3A_73 = arith.addi %mul3A_71, %add3A_72 : i32
      %gt3A = arith.constant 0 : i32
      %gt3A_74 = arith.cmpi sgt, %scan3A_68, %gt3A : i32
      %convert_element_type3A = arith.extui %gt3A_74 : i1 to i32
      %cond3A = arith.constant 0 : i32
      %cond3A_75 = arith.cmpi ne, %convert_element_type3A, %cond3A : i32
      scf.if %cond3A_75 {
        %sub3A = arith.constant 2 : i32
        %sub3A_170 = arith.subi %add3A_73, %sub3A : i32
        %mul3A_171 = arith.constant 2 : i32
        %mul3A_172 = arith.muli %sub3A_170, %mul3A_171 : i32
        %add3A_173 = arith.addi %mul3A_2, %mul3A_172 : i32
        %add3A_174 = arith.constant 0 : i32
        %add3A_175 = arith.addi %add3A_173, %add3A_174 : i32
        %mul3A_176 = arith.constant 2 : i32
        %mul3A_177 = arith.muli %sub3A_170, %mul3A_176 : i32
        %add3A_178 = arith.addi %mul3A_2, %mul3A_177 : i32
        %add3A_179 = arith.constant 1 : i32
        %add3A_180 = arith.addi %add3A_178, %add3A_179 : i32
        %dma_wait3A_181 = arith.constant 0 : i32
        %dma_wait3A_182 = tpu.memref_slice %arg7[%dma_wait3A_181] : memref<65600xf32, #tpu.memory_space<vmem>> -> memref<16385xf32, #tpu.memory_space<vmem>>
        %dma_wait3A_183 = arith.constant 0 : i32
        %dma_wait3A_184 = tpu.memref_slice %arg4[%add3A_175, %dma_wait3A_183] : memref<512x16385xf32, #tpu.memory_space<hbm>> -> memref<1x16385xf32, #tpu.memory_space<hbm>>
        %dma_wait3A_185 = tpu.memref_squeeze %dma_wait3A_184 : memref<1x16385xf32, #tpu.memory_space<hbm>> -> memref<16385xf32, #tpu.memory_space<hbm>>
        %dma_wait3A_186 = arith.constant 0 : i32
        %dma_wait3A_187 = tpu.memref_slice %arg4[%add3A_175, %dma_wait3A_186] : memref<512x16385xf32, #tpu.memory_space<hbm>> -> memref<1x16385xf32, #tpu.memory_space<hbm>>
        %dma_wait3A_188 = tpu.memref_squeeze %dma_wait3A_187 : memref<1x16385xf32, #tpu.memory_space<hbm>> -> memref<16385xf32, #tpu.memory_space<hbm>>
        %dma_wait3A_189 = arith.constant 0 : i32
        %dma_wait3A_190 = tpu.memref_slice %arg7[%dma_wait3A_189] : memref<65600xf32, #tpu.memory_space<vmem>> -> memref<16385xf32, #tpu.memory_space<vmem>>
        tpu.wait_dma2 semaphore(%arg8 : memref<!tpu.dma_semaphore, #tpu.memory_space<semaphore_mem>>) src(%dma_wait3A_190 : memref<16385xf32, #tpu.memory_space<vmem>>) dst(%dma_wait3A_188 : memref<16385xf32, #tpu.memory_space<hbm>>)
        %dma_wait3A_191 = arith.constant 16400 : i32
        %dma_wait3A_192 = tpu.memref_slice %arg7[%dma_wait3A_191] : memref<65600xf32, #tpu.memory_space<vmem>> -> memref<16385xf32, #tpu.memory_space<vmem>>
        %dma_wait3A_193 = arith.constant 0 : i32
        %dma_wait3A_194 = tpu.memref_slice %arg4[%add3A_180, %dma_wait3A_193] : memref<512x16385xf32, #tpu.memory_space<hbm>> -> memref<1x16385xf32, #tpu.memory_space<hbm>>
        %dma_wait3A_195 = tpu.memref_squeeze %dma_wait3A_194 : memref<1x16385xf32, #tpu.memory_space<hbm>> -> memref<16385xf32, #tpu.memory_space<hbm>>
        %dma_wait3A_196 = arith.constant 0 : i32
        %dma_wait3A_197 = tpu.memref_slice %arg4[%add3A_180, %dma_wait3A_196] : memref<512x16385xf32, #tpu.memory_space<hbm>> -> memref<1x16385xf32, #tpu.memory_space<hbm>>
        %dma_wait3A_198 = tpu.memref_squeeze %dma_wait3A_197 : memref<1x16385xf32, #tpu.memory_space<hbm>> -> memref<16385xf32, #tpu.memory_space<hbm>>
        %dma_wait3A_199 = arith.constant 16400 : i32
        %dma_wait3A_200 = tpu.memref_slice %arg7[%dma_wait3A_199] : memref<65600xf32, #tpu.memory_space<vmem>> -> memref<16385xf32, #tpu.memory_space<vmem>>
        tpu.wait_dma2 semaphore(%arg8 : memref<!tpu.dma_semaphore, #tpu.memory_space<semaphore_mem>>) src(%dma_wait3A_200 : memref<16385xf32, #tpu.memory_space<vmem>>) dst(%dma_wait3A_198 : memref<16385xf32, #tpu.memory_space<hbm>>)
      } else {
      }
      %mul3A_76 = arith.constant 2 : i32
      %mul3A_77 = arith.muli %add3A_73, %mul3A_76 : i32
      %mul3A_78 = arith.constant 1024 : i32
      %mul3A_79 = arith.muli %mul3A_77, %mul3A_78 : i32
      %mul3A_80 = arith.constant 2 : i32
      %mul3A_81 = arith.muli %add3A_73, %mul3A_80 : i32
      %add3A_82 = arith.constant 1 : i32
      %add3A_83 = arith.addi %mul3A_81, %add3A_82 : i32
      %mul3A_84 = arith.constant 1024 : i32
      %mul3A_85 = arith.muli %add3A_83, %mul3A_84 : i32
      %parallel_loop3A = arith.constant 0 : i32
      %parallel_loop3A_86 = arith.constant 1025 : i32
      %parallel_loop3A_87 = arith.constant 1 : i32
      scf.for %parallel_loop3A_170 = %parallel_loop3A to %parallel_loop3A_86 step %parallel_loop3A_87  : i32 {
        %parallel_loop3A_171 = arith.constant 16 : i32
        %parallel_loop3A_172 = arith.muli %parallel_loop3A_170, %parallel_loop3A_171 : i32
        %parallel_loop3A_173 = arith.index_cast %parallel_loop3A_172 : i32 to index
        %parallel_loop3A_174 = tpu.vector_load %arg5[%parallel_loop3A_173] {strides = array<i32>} : memref<16400xi32, #tpu.memory_space<vmem>>, vector<16xi32>,
        %parallel_loop3A_175 = vector.broadcast %mul3A_79 : i32 to vector<16xi32>
        %parallel_loop3A_176 = arith.addi %parallel_loop3A_174, %parallel_loop3A_175 : vector<16xi32>
        %parallel_loop3A_177 = tpu.vector_load_idx %arg6[%parallel_loop3A_176] : memref<16384xf32, #tpu.memory_space<vmem>>[vector<16xi32>], vector<16xf32>,
        %parallel_loop3A_178 = arith.constant 16 : i32
        %parallel_loop3A_179 = arith.muli %parallel_loop3A_170, %parallel_loop3A_178 : i32
        %parallel_loop3A_180 = arith.constant 0 : i32
        %parallel_loop3A_181 = arith.addi %parallel_loop3A_180, %parallel_loop3A_179 : i32
        %parallel_loop3A_182 = arith.index_cast %parallel_loop3A_181 : i32 to index
        %parallel_loop3A_183 = tpu.vector_load %arg7[%parallel_loop3A_182] {strides = array<i32>} : memref<65600xf32, #tpu.memory_space<vmem>>, vector<16xf32>,
        tpu.vector_store %arg7[%parallel_loop3A_182], %parallel_loop3A_177 {strides = array<i32>} : memref<65600xf32, #tpu.memory_space<vmem>>, vector<16xf32>,
        %parallel_loop3A_184 = vector.broadcast %mul3A_85 : i32 to vector<16xi32>
        %parallel_loop3A_185 = arith.addi %parallel_loop3A_174, %parallel_loop3A_184 : vector<16xi32>
        %parallel_loop3A_186 = tpu.vector_load_idx %arg6[%parallel_loop3A_185] : memref<16384xf32, #tpu.memory_space<vmem>>[vector<16xi32>], vector<16xf32>,
        %parallel_loop3A_187 = arith.constant 16 : i32
        %parallel_loop3A_188 = arith.muli %parallel_loop3A_170, %parallel_loop3A_187 : i32
        %parallel_loop3A_189 = arith.constant 16400 : i32
        %parallel_loop3A_190 = arith.addi %parallel_loop3A_189, %parallel_loop3A_188 : i32
        %parallel_loop3A_191 = arith.index_cast %parallel_loop3A_190 : i32 to index
        %parallel_loop3A_192 = tpu.vector_load %arg7[%parallel_loop3A_191] {strides = array<i32>} : memref<65600xf32, #tpu.memory_space<vmem>>, vector<16xf32>,
        tpu.vector_store %arg7[%parallel_loop3A_191], %parallel_loop3A_186 {strides = array<i32>} : memref<65600xf32, #tpu.memory_space<vmem>>, vector<16xf32>,
      } {sc.loop_unroll_factor = 8 : i64, sc.parallel_access}
      %mul3A_88 = arith.constant 2 : i32
      %mul3A_89 = arith.muli %add3A_73, %mul3A_88 : i32
      %add3A_90 = arith.addi %mul3A_2, %mul3A_89 : i32
      %add3A_91 = arith.constant 0 : i32
      %add3A_92 = arith.addi %add3A_90, %add3A_91 : i32
      %mul3A_93 = arith.constant 2 : i32
      %mul3A_94 = arith.muli %add3A_73, %mul3A_93 : i32
      %add3A_95 = arith.addi %mul3A_2, %mul3A_94 : i32
      %add3A_96 = arith.constant 1 : i32
      %add3A_97 = arith.addi %add3A_95, %add3A_96 : i32
      %dma_start3A = arith.constant 0 : i32
      %dma_start3A_98 = tpu.memref_slice %arg7[%dma_start3A] : memref<65600xf32, #tpu.memory_space<vmem>> -> memref<16385xf32, #tpu.memory_space<vmem>>
      %dma_start3A_99 = arith.constant 0 : i32
      %dma_start3A_100 = tpu.memref_slice %arg4[%add3A_92, %dma_start3A_99] : memref<512x16385xf32, #tpu.memory_space<hbm>> -> memref<1x16385xf32, #tpu.memory_space<hbm>>
      %dma_start3A_101 = tpu.memref_squeeze %dma_start3A_100 : memref<1x16385xf32, #tpu.memory_space<hbm>> -> memref<16385xf32, #tpu.memory_space<hbm>>
      %dma_start3A_102 = arith.constant 0 : i32
      %dma_start3A_103 = tpu.memref_slice %arg4[%add3A_92, %dma_start3A_102] : memref<512x16385xf32, #tpu.memory_space<hbm>> -> memref<1x16385xf32, #tpu.memory_space<hbm>>
      %dma_start3A_104 = tpu.memref_squeeze %dma_start3A_103 : memref<1x16385xf32, #tpu.memory_space<hbm>> -> memref<16385xf32, #tpu.memory_space<hbm>>
      %dma_start3A_105 = arith.constant 0 : i32
      %dma_start3A_106 = tpu.memref_slice %arg7[%dma_start3A_105] : memref<65600xf32, #tpu.memory_space<vmem>> -> memref<16385xf32, #tpu.memory_space<vmem>>
      tpu.enqueue_dma source(%dma_start3A_106 : memref<16385xf32, #tpu.memory_space<vmem>>) target(%dma_start3A_104 : memref<16385xf32, #tpu.memory_space<hbm>>) target_semaphore(%arg8 : memref<!tpu.dma_semaphore, #tpu.memory_space<semaphore_mem>>)
      %dma_start3A_107 = arith.constant 16400 : i32
      %dma_start3A_108 = tpu.memref_slice %arg7[%dma_start3A_107] : memref<65600xf32, #tpu.memory_space<vmem>> -> memref<16385xf32, #tpu.memory_space<vmem>>
      %dma_start3A_109 = arith.constant 0 : i32
      %dma_start3A_110 = tpu.memref_slice %arg4[%add3A_97, %dma_start3A_109] : memref<512x16385xf32, #tpu.memory_space<hbm>> -> memref<1x16385xf32, #tpu.memory_space<hbm>>
      %dma_start3A_111 = tpu.memref_squeeze %dma_start3A_110 : memref<1x16385xf32, #tpu.memory_space<hbm>> -> memref<16385xf32, #tpu.memory_space<hbm>>
      %dma_start3A_112 = arith.constant 0 : i32
      %dma_start3A_113 = tpu.memref_slice %arg4[%add3A_97, %dma_start3A_112] : memref<512x16385xf32, #tpu.memory_space<hbm>> -> memref<1x16385xf32, #tpu.memory_space<hbm>>
      %dma_start3A_114 = tpu.memref_squeeze %dma_start3A_113 : memref<1x16385xf32, #tpu.memory_space<hbm>> -> memref<16385xf32, #tpu.memory_space<hbm>>
      %dma_start3A_115 = arith.constant 16400 : i32
      %dma_start3A_116 = tpu.memref_slice %arg7[%dma_start3A_115] : memref<65600xf32, #tpu.memory_space<vmem>> -> memref<16385xf32, #tpu.memory_space<vmem>>
      tpu.enqueue_dma source(%dma_start3A_116 : memref<16385xf32, #tpu.memory_space<vmem>>) target(%dma_start3A_114 : memref<16385xf32, #tpu.memory_space<hbm>>) target_semaphore(%arg8 : memref<!tpu.dma_semaphore, #tpu.memory_space<semaphore_mem>>)
      %mul3A_117 = arith.constant 2 : i32
      %mul3A_118 = arith.muli %scan3A_68, %mul3A_117 : i32
      %add3A_119 = arith.constant 1 : i32
      %add3A_120 = arith.addi %mul3A_118, %add3A_119 : i32
      %gt3A_121 = arith.constant 0 : i32
      %gt3A_122 = arith.cmpi sgt, %scan3A_68, %gt3A_121 : i32
      %convert_element_type3A_123 = arith.extui %gt3A_122 : i1 to i32
      %cond3A_124 = arith.constant 0 : i32
      %cond3A_125 = arith.cmpi ne, %convert_element_type3A_123, %cond3A_124 : i32
      scf.if %cond3A_125 {
        %sub3A = arith.constant 2 : i32
        %sub3A_170 = arith.subi %add3A_120, %sub3A : i32
        %mul3A_171 = arith.constant 2 : i32
        %mul3A_172 = arith.muli %sub3A_170, %mul3A_171 : i32
        %add3A_173 = arith.addi %mul3A_2, %mul3A_172 : i32
        %add3A_174 = arith.constant 0 : i32
        %add3A_175 = arith.addi %add3A_173, %add3A_174 : i32
        %mul3A_176 = arith.constant 2 : i32
        %mul3A_177 = arith.muli %sub3A_170, %mul3A_176 : i32
        %add3A_178 = arith.addi %mul3A_2, %mul3A_177 : i32
        %add3A_179 = arith.constant 1 : i32
        %add3A_180 = arith.addi %add3A_178, %add3A_179 : i32
        %dma_wait3A_181 = arith.constant 32800 : i32
        %dma_wait3A_182 = tpu.memref_slice %arg7[%dma_wait3A_181] : memref<65600xf32, #tpu.memory_space<vmem>> -> memref<16385xf32, #tpu.memory_space<vmem>>
        %dma_wait3A_183 = arith.constant 0 : i32
        %dma_wait3A_184 = tpu.memref_slice %arg4[%add3A_175, %dma_wait3A_183] : memref<512x16385xf32, #tpu.memory_space<hbm>> -> memref<1x16385xf32, #tpu.memory_space<hbm>>
        %dma_wait3A_185 = tpu.memref_squeeze %dma_wait3A_184 : memref<1x16385xf32, #tpu.memory_space<hbm>> -> memref<16385xf32, #tpu.memory_space<hbm>>
        %dma_wait3A_186 = arith.constant 0 : i32
        %dma_wait3A_187 = tpu.memref_slice %arg4[%add3A_175, %dma_wait3A_186] : memref<512x16385xf32, #tpu.memory_space<hbm>> -> memref<1x16385xf32, #tpu.memory_space<hbm>>
        %dma_wait3A_188 = tpu.memref_squeeze %dma_wait3A_187 : memref<1x16385xf32, #tpu.memory_space<hbm>> -> memref<16385xf32, #tpu.memory_space<hbm>>
        %dma_wait3A_189 = arith.constant 32800 : i32
        %dma_wait3A_190 = tpu.memref_slice %arg7[%dma_wait3A_189] : memref<65600xf32, #tpu.memory_space<vmem>> -> memref<16385xf32, #tpu.memory_space<vmem>>
        tpu.wait_dma2 semaphore(%arg9 : memref<!tpu.dma_semaphore, #tpu.memory_space<semaphore_mem>>) src(%dma_wait3A_190 : memref<16385xf32, #tpu.memory_space<vmem>>) dst(%dma_wait3A_188 : memref<16385xf32, #tpu.memory_space<hbm>>)
        %dma_wait3A_191 = arith.constant 49200 : i32
        %dma_wait3A_192 = tpu.memref_slice %arg7[%dma_wait3A_191] : memref<65600xf32, #tpu.memory_space<vmem>> -> memref<16385xf32, #tpu.memory_space<vmem>>
        %dma_wait3A_193 = arith.constant 0 : i32
        %dma_wait3A_194 = tpu.memref_slice %arg4[%add3A_180, %dma_wait3A_193] : memref<512x16385xf32, #tpu.memory_space<hbm>> -> memref<1x16385xf32, #tpu.memory_space<hbm>>
        %dma_wait3A_195 = tpu.memref_squeeze %dma_wait3A_194 : memref<1x16385xf32, #tpu.memory_space<hbm>> -> memref<16385xf32, #tpu.memory_space<hbm>>
        %dma_wait3A_196 = arith.constant 0 : i32
        %dma_wait3A_197 = tpu.memref_slice %arg4[%add3A_180, %dma_wait3A_196] : memref<512x16385xf32, #tpu.memory_space<hbm>> -> memref<1x16385xf32, #tpu.memory_space<hbm>>
        %dma_wait3A_198 = tpu.memref_squeeze %dma_wait3A_197 : memref<1x16385xf32, #tpu.memory_space<hbm>> -> memref<16385xf32, #tpu.memory_space<hbm>>
        %dma_wait3A_199 = arith.constant 49200 : i32
        %dma_wait3A_200 = tpu.memref_slice %arg7[%dma_wait3A_199] : memref<65600xf32, #tpu.memory_space<vmem>> -> memref<16385xf32, #tpu.memory_space<vmem>>
        tpu.wait_dma2 semaphore(%arg9 : memref<!tpu.dma_semaphore, #tpu.memory_space<semaphore_mem>>) src(%dma_wait3A_200 : memref<16385xf32, #tpu.memory_space<vmem>>) dst(%dma_wait3A_198 : memref<16385xf32, #tpu.memory_space<hbm>>)
      } else {
      }
      %mul3A_126 = arith.constant 2 : i32
      %mul3A_127 = arith.muli %add3A_120, %mul3A_126 : i32
      %mul3A_128 = arith.constant 1024 : i32
      %mul3A_129 = arith.muli %mul3A_127, %mul3A_128 : i32
      %mul3A_130 = arith.constant 2 : i32
      %mul3A_131 = arith.muli %add3A_120, %mul3A_130 : i32
      %add3A_132 = arith.constant 1 : i32
      %add3A_133 = arith.addi %mul3A_131, %add3A_132 : i32
      %mul3A_134 = arith.constant 1024 : i32
      %mul3A_135 = arith.muli %add3A_133, %mul3A_134 : i32
      %parallel_loop3A_136 = arith.constant 0 : i32
      %parallel_loop3A_137 = arith.constant 1025 : i32
      %parallel_loop3A_138 = arith.constant 1 : i32
      scf.for %parallel_loop3A_170 = %parallel_loop3A_136 to %parallel_loop3A_137 step %parallel_loop3A_138  : i32 {
        %parallel_loop3A_171 = arith.constant 16 : i32
        %parallel_loop3A_172 = arith.muli %parallel_loop3A_170, %parallel_loop3A_171 : i32
        %parallel_loop3A_173 = arith.index_cast %parallel_loop3A_172 : i32 to index
        %parallel_loop3A_174 = tpu.vector_load %arg5[%parallel_loop3A_173] {strides = array<i32>} : memref<16400xi32, #tpu.memory_space<vmem>>, vector<16xi32>,
        %parallel_loop3A_175 = vector.broadcast %mul3A_129 : i32 to vector<16xi32>
        %parallel_loop3A_176 = arith.addi %parallel_loop3A_174, %parallel_loop3A_175 : vector<16xi32>
        %parallel_loop3A_177 = tpu.vector_load_idx %arg6[%parallel_loop3A_176] : memref<16384xf32, #tpu.memory_space<vmem>>[vector<16xi32>], vector<16xf32>,
        %parallel_loop3A_178 = arith.constant 16 : i32
        %parallel_loop3A_179 = arith.muli %parallel_loop3A_170, %parallel_loop3A_178 : i32
        %parallel_loop3A_180 = arith.constant 32800 : i32
        %parallel_loop3A_181 = arith.addi %parallel_loop3A_180, %parallel_loop3A_179 : i32
        %parallel_loop3A_182 = arith.index_cast %parallel_loop3A_181 : i32 to index
        %parallel_loop3A_183 = tpu.vector_load %arg7[%parallel_loop3A_182] {strides = array<i32>} : memref<65600xf32, #tpu.memory_space<vmem>>, vector<16xf32>,
        tpu.vector_store %arg7[%parallel_loop3A_182], %parallel_loop3A_177 {strides = array<i32>} : memref<65600xf32, #tpu.memory_space<vmem>>, vector<16xf32>,
        %parallel_loop3A_184 = vector.broadcast %mul3A_135 : i32 to vector<16xi32>
        %parallel_loop3A_185 = arith.addi %parallel_loop3A_174, %parallel_loop3A_184 : vector<16xi32>
        %parallel_loop3A_186 = tpu.vector_load_idx %arg6[%parallel_loop3A_185] : memref<16384xf32, #tpu.memory_space<vmem>>[vector<16xi32>], vector<16xf32>,
        %parallel_loop3A_187 = arith.constant 16 : i32
        %parallel_loop3A_188 = arith.muli %parallel_loop3A_170, %parallel_loop3A_187 : i32
        %parallel_loop3A_189 = arith.constant 49200 : i32
        %parallel_loop3A_190 = arith.addi %parallel_loop3A_189, %parallel_loop3A_188 : i32
        %parallel_loop3A_191 = arith.index_cast %parallel_loop3A_190 : i32 to index
        %parallel_loop3A_192 = tpu.vector_load %arg7[%parallel_loop3A_191] {strides = array<i32>} : memref<65600xf32, #tpu.memory_space<vmem>>, vector<16xf32>,
        tpu.vector_store %arg7[%parallel_loop3A_191], %parallel_loop3A_186 {strides = array<i32>} : memref<65600xf32, #tpu.memory_space<vmem>>, vector<16xf32>,
      } {sc.loop_unroll_factor = 8 : i64, sc.parallel_access}
      %mul3A_139 = arith.constant 2 : i32
      %mul3A_140 = arith.muli %add3A_120, %mul3A_139 : i32
      %add3A_141 = arith.addi %mul3A_2, %mul3A_140 : i32
      %add3A_142 = arith.constant 0 : i32
      %add3A_143 = arith.addi %add3A_141, %add3A_142 : i32
      %mul3A_144 = arith.constant 2 : i32
      %mul3A_145 = arith.muli %add3A_120, %mul3A_144 : i32
      %add3A_146 = arith.addi %mul3A_2, %mul3A_145 : i32
      %add3A_147 = arith.constant 1 : i32
      %add3A_148 = arith.addi %add3A_146, %add3A_147 : i32
      %dma_start3A_149 = arith.constant 32800 : i32
      %dma_start3A_150 = tpu.memref_slice %arg7[%dma_start3A_149] : memref<65600xf32, #tpu.memory_space<vmem>> -> memref<16385xf32, #tpu.memory_space<vmem>>
      %dma_start3A_151 = arith.constant 0 : i32
      %dma_start3A_152 = tpu.memref_slice %arg4[%add3A_143, %dma_start3A_151] : memref<512x16385xf32, #tpu.memory_space<hbm>> -> memref<1x16385xf32, #tpu.memory_space<hbm>>
      %dma_start3A_153 = tpu.memref_squeeze %dma_start3A_152 : memref<1x16385xf32, #tpu.memory_space<hbm>> -> memref<16385xf32, #tpu.memory_space<hbm>>
      %dma_start3A_154 = arith.constant 0 : i32
      %dma_start3A_155 = tpu.memref_slice %arg4[%add3A_143, %dma_start3A_154] : memref<512x16385xf32, #tpu.memory_space<hbm>> -> memref<1x16385xf32, #tpu.memory_space<hbm>>
      %dma_start3A_156 = tpu.memref_squeeze %dma_start3A_155 : memref<1x16385xf32, #tpu.memory_space<hbm>> -> memref<16385xf32, #tpu.memory_space<hbm>>
      %dma_start3A_157 = arith.constant 32800 : i32
      %dma_start3A_158 = tpu.memref_slice %arg7[%dma_start3A_157] : memref<65600xf32, #tpu.memory_space<vmem>> -> memref<16385xf32, #tpu.memory_space<vmem>>
      tpu.enqueue_dma source(%dma_start3A_158 : memref<16385xf32, #tpu.memory_space<vmem>>) target(%dma_start3A_156 : memref<16385xf32, #tpu.memory_space<hbm>>) target_semaphore(%arg9 : memref<!tpu.dma_semaphore, #tpu.memory_space<semaphore_mem>>)
      %dma_start3A_159 = arith.constant 49200 : i32
      %dma_start3A_160 = tpu.memref_slice %arg7[%dma_start3A_159] : memref<65600xf32, #tpu.memory_space<vmem>> -> memref<16385xf32, #tpu.memory_space<vmem>>
      %dma_start3A_161 = arith.constant 0 : i32
      %dma_start3A_162 = tpu.memref_slice %arg4[%add3A_148, %dma_start3A_161] : memref<512x16385xf32, #tpu.memory_space<hbm>> -> memref<1x16385xf32, #tpu.memory_space<hbm>>
      %dma_start3A_163 = tpu.memref_squeeze %dma_start3A_162 : memref<1x16385xf32, #tpu.memory_space<hbm>> -> memref<16385xf32, #tpu.memory_space<hbm>>
      %dma_start3A_164 = arith.constant 0 : i32
      %dma_start3A_165 = tpu.memref_slice %arg4[%add3A_148, %dma_start3A_164] : memref<512x16385xf32, #tpu.memory_space<hbm>> -> memref<1x16385xf32, #tpu.memory_space<hbm>>
      %dma_start3A_166 = tpu.memref_squeeze %dma_start3A_165 : memref<1x16385xf32, #tpu.memory_space<hbm>> -> memref<16385xf32, #tpu.memory_space<hbm>>
      %dma_start3A_167 = arith.constant 49200 : i32
      %dma_start3A_168 = tpu.memref_slice %arg7[%dma_start3A_167] : memref<65600xf32, #tpu.memory_space<vmem>> -> memref<16385xf32, #tpu.memory_space<vmem>>
      tpu.enqueue_dma source(%dma_start3A_168 : memref<16385xf32, #tpu.memory_space<vmem>>) target(%dma_start3A_166 : memref<16385xf32, #tpu.memory_space<hbm>>) target_semaphore(%arg9 : memref<!tpu.dma_semaphore, #tpu.memory_space<semaphore_mem>>)
      %scan3A_169 = arith.constant 0 : i32
      scf.yield %scan3A_169 : i32
    }
    %scan3A_12 = arith.constant 4 : i32
    %add3A_13 = arith.constant 12 : i32
    %add3A_14 = arith.addi %mul3A_2, %add3A_13 : i32
    %add3A_15 = arith.constant 0 : i32
    %add3A_16 = arith.addi %add3A_14, %add3A_15 : i32
    %add3A_17 = arith.constant 12 : i32
    %add3A_18 = arith.addi %mul3A_2, %add3A_17 : i32
    %add3A_19 = arith.constant 1 : i32
    %add3A_20 = arith.addi %add3A_18, %add3A_19 : i32
    %dma_wait3A = arith.constant 0 : i32
    %dma_wait3A_21 = tpu.memref_slice %arg7[%dma_wait3A] : memref<65600xf32, #tpu.memory_space<vmem>> -> memref<16385xf32, #tpu.memory_space<vmem>>
    %dma_wait3A_22 = arith.constant 0 : i32
    %dma_wait3A_23 = tpu.memref_slice %arg4[%add3A_16, %dma_wait3A_22] : memref<512x16385xf32, #tpu.memory_space<hbm>> -> memref<1x16385xf32, #tpu.memory_space<hbm>>
    %dma_wait3A_24 = tpu.memref_squeeze %dma_wait3A_23 : memref<1x16385xf32, #tpu.memory_space<hbm>> -> memref<16385xf32, #tpu.memory_space<hbm>>
    %dma_wait3A_25 = arith.constant 0 : i32
    %dma_wait3A_26 = tpu.memref_slice %arg4[%add3A_16, %dma_wait3A_25] : memref<512x16385xf32, #tpu.memory_space<hbm>> -> memref<1x16385xf32, #tpu.memory_space<hbm>>
    %dma_wait3A_27 = tpu.memref_squeeze %dma_wait3A_26 : memref<1x16385xf32, #tpu.memory_space<hbm>> -> memref<16385xf32, #tpu.memory_space<hbm>>
    %dma_wait3A_28 = arith.constant 0 : i32
    %dma_wait3A_29 = tpu.memref_slice %arg7[%dma_wait3A_28] : memref<65600xf32, #tpu.memory_space<vmem>> -> memref<16385xf32, #tpu.memory_space<vmem>>
    tpu.wait_dma2 semaphore(%arg8 : memref<!tpu.dma_semaphore, #tpu.memory_space<semaphore_mem>>) src(%dma_wait3A_29 : memref<16385xf32, #tpu.memory_space<vmem>>) dst(%dma_wait3A_27 : memref<16385xf32, #tpu.memory_space<hbm>>)
    %dma_wait3A_30 = arith.constant 16400 : i32
    %dma_wait3A_31 = tpu.memref_slice %arg7[%dma_wait3A_30] : memref<65600xf32, #tpu.memory_space<vmem>> -> memref<16385xf32, #tpu.memory_space<vmem>>
    %dma_wait3A_32 = arith.constant 0 : i32
    %dma_wait3A_33 = tpu.memref_slice %arg4[%add3A_20, %dma_wait3A_32] : memref<512x16385xf32, #tpu.memory_space<hbm>> -> memref<1x16385xf32, #tpu.memory_space<hbm>>
    %dma_wait3A_34 = tpu.memref_squeeze %dma_wait3A_33 : memref<1x16385xf32, #tpu.memory_space<hbm>> -> memref<16385xf32, #tpu.memory_space<hbm>>
    %dma_wait3A_35 = arith.constant 0 : i32
    %dma_wait3A_36 = tpu.memref_slice %arg4[%add3A_20, %dma_wait3A_35] : memref<512x16385xf32, #tpu.memory_space<hbm>> -> memref<1x16385xf32, #tpu.memory_space<hbm>>
    %dma_wait3A_37 = tpu.memref_squeeze %dma_wait3A_36 : memref<1x16385xf32, #tpu.memory_space<hbm>> -> memref<16385xf32, #tpu.memory_space<hbm>>
    %dma_wait3A_38 = arith.constant 16400 : i32
    %dma_wait3A_39 = tpu.memref_slice %arg7[%dma_wait3A_38] : memref<65600xf32, #tpu.memory_space<vmem>> -> memref<16385xf32, #tpu.memory_space<vmem>>
    tpu.wait_dma2 semaphore(%arg8 : memref<!tpu.dma_semaphore, #tpu.memory_space<semaphore_mem>>) src(%dma_wait3A_39 : memref<16385xf32, #tpu.memory_space<vmem>>) dst(%dma_wait3A_37 : memref<16385xf32, #tpu.memory_space<hbm>>)
    %add3A_40 = arith.constant 14 : i32
    %add3A_41 = arith.addi %mul3A_2, %add3A_40 : i32
    %add3A_42 = arith.constant 0 : i32
    %add3A_43 = arith.addi %add3A_41, %add3A_42 : i32
    %add3A_44 = arith.constant 14 : i32
    %add3A_45 = arith.addi %mul3A_2, %add3A_44 : i32
    %add3A_46 = arith.constant 1 : i32
    %add3A_47 = arith.addi %add3A_45, %add3A_46 : i32
    %dma_wait3A_48 = arith.constant 32800 : i32
    %dma_wait3A_49 = tpu.memref_slice %arg7[%dma_wait3A_48] : memref<65600xf32, #tpu.memory_space<vmem>> -> memref<16385xf32, #tpu.memory_space<vmem>>
    %dma_wait3A_50 = arith.constant 0 : i32
    %dma_wait3A_51 = tpu.memref_slice %arg4[%add3A_43, %dma_wait3A_50] : memref<512x16385xf32, #tpu.memory_space<hbm>> -> memref<1x16385xf32, #tpu.memory_space<hbm>>
    %dma_wait3A_52 = tpu.memref_squeeze %dma_wait3A_51 : memref<1x16385xf32, #tpu.memory_space<hbm>> -> memref<16385xf32, #tpu.memory_space<hbm>>
    %dma_wait3A_53 = arith.constant 0 : i32
    %dma_wait3A_54 = tpu.memref_slice %arg4[%add3A_43, %dma_wait3A_53] : memref<512x16385xf32, #tpu.memory_space<hbm>> -> memref<1x16385xf32, #tpu.memory_space<hbm>>
    %dma_wait3A_55 = tpu.memref_squeeze %dma_wait3A_54 : memref<1x16385xf32, #tpu.memory_space<hbm>> -> memref<16385xf32, #tpu.memory_space<hbm>>
    %dma_wait3A_56 = arith.constant 32800 : i32
    %dma_wait3A_57 = tpu.memref_slice %arg7[%dma_wait3A_56] : memref<65600xf32, #tpu.memory_space<vmem>> -> memref<16385xf32, #tpu.memory_space<vmem>>
    tpu.wait_dma2 semaphore(%arg9 : memref<!tpu.dma_semaphore, #tpu.memory_space<semaphore_mem>>) src(%dma_wait3A_57 : memref<16385xf32, #tpu.memory_space<vmem>>) dst(%dma_wait3A_55 : memref<16385xf32, #tpu.memory_space<hbm>>)
    %dma_wait3A_58 = arith.constant 49200 : i32
    %dma_wait3A_59 = tpu.memref_slice %arg7[%dma_wait3A_58] : memref<65600xf32, #tpu.memory_space<vmem>> -> memref<16385xf32, #tpu.memory_space<vmem>>
    %dma_wait3A_60 = arith.constant 0 : i32
    %dma_wait3A_61 = tpu.memref_slice %arg4[%add3A_47, %dma_wait3A_60] : memref<512x16385xf32, #tpu.memory_space<hbm>> -> memref<1x16385xf32, #tpu.memory_space<hbm>>
    %dma_wait3A_62 = tpu.memref_squeeze %dma_wait3A_61 : memref<1x16385xf32, #tpu.memory_space<hbm>> -> memref<16385xf32, #tpu.memory_space<hbm>>
    %dma_wait3A_63 = arith.constant 0 : i32
    %dma_wait3A_64 = tpu.memref_slice %arg4[%add3A_47, %dma_wait3A_63] : memref<512x16385xf32, #tpu.memory_space<hbm>> -> memref<1x16385xf32, #tpu.memory_space<hbm>>
    %dma_wait3A_65 = tpu.memref_squeeze %dma_wait3A_64 : memref<1x16385xf32, #tpu.memory_space<hbm>> -> memref<16385xf32, #tpu.memory_space<hbm>>
    %dma_wait3A_66 = arith.constant 49200 : i32
    %dma_wait3A_67 = tpu.memref_slice %arg7[%dma_wait3A_66] : memref<65600xf32, #tpu.memory_space<vmem>> -> memref<16385xf32, #tpu.memory_space<vmem>>
    tpu.wait_dma2 semaphore(%arg9 : memref<!tpu.dma_semaphore, #tpu.memory_space<semaphore_mem>>) src(%dma_wait3A_67 : memref<16385xf32, #tpu.memory_space<vmem>>) dst(%dma_wait3A_65 : memref<16385xf32, #tpu.memory_space<hbm>>)
    return
  }
}

#map = affine_map<(d0, d1) -> (0)>
#map1 = affine_map<(d0, d1) -> (0, 0)>
module attributes {stable_mosaic.version = 14 : i64} {
  func.func @_gather_body(%arg0: i32, %arg1: i32, %arg2: memref<1048576xf32, #tpu.memory_space<hbm>>, %arg3: memref<16400xi32, #tpu.memory_space<hbm>>, %arg4: memref<512x16385xf32, #tpu.memory_space<hbm>>, %arg5: memref<16400xi32, #tpu.memory_space<vmem>>, %arg6: memref<16384xf32, #tpu.memory_space<vmem>>, %arg7: memref<65600xf32, #tpu.memory_space<vmem>>, %arg8: memref<!tpu.dma_semaphore, #tpu.memory_space<semaphore_mem>>, %arg9: memref<!tpu.dma_semaphore, #tpu.memory_space<semaphore_mem>>) attributes {dimension_semantics = [#tpu.dimension_semantics<core_parallel>, #tpu.dimension_semantics<subcore_parallel>], iteration_bounds = array<i64: 2, 16>, scalar_prefetch = 0 : i64, scratch_operands = 5 : i64, tpu.core_type = #tpu.core_type<sc_vector_subcore>, window_params = [{transform_indices = #map}, {transform_indices = #map}, {transform_indices = #map1}]} {
    %mul3A = arith.constant 2 : i32
    %mul3A_0 = arith.muli %arg1, %mul3A : i32
    %add3A = arith.addi %mul3A_0, %arg0 : i32
    %mul3A_1 = arith.constant 16 : i32
    %mul3A_2 = arith.muli %add3A, %mul3A_1 : i32
    "tpu.region"() ({
      %run_scoped3A = tpu.sem_alloc : memref<!tpu.dma_semaphore, #tpu.memory_space<semaphore_mem>>
      tpu.enqueue_dma source(%arg3 : memref<16400xi32, #tpu.memory_space<hbm>>) target(%arg5 : memref<16400xi32, #tpu.memory_space<vmem>>) target_semaphore(%run_scoped3A : memref<!tpu.dma_semaphore, #tpu.memory_space<semaphore_mem>>)
      tpu.wait_dma2 semaphore(%run_scoped3A : memref<!tpu.dma_semaphore, #tpu.memory_space<semaphore_mem>>) src(%arg3 : memref<16400xi32, #tpu.memory_space<hbm>>) dst(%arg5 : memref<16400xi32, #tpu.memory_space<vmem>>)
      tpu.yield
    }) : () -> ()
    %add3A_3 = arith.constant 0 : i32
    %add3A_4 = arith.addi %add3A_3, %mul3A_2 : i32
    %mul3A_5 = arith.constant 1024 : i32
    %mul3A_6 = arith.muli %add3A_4, %mul3A_5 : i32
    "tpu.region"() ({
      %run_scoped3A = tpu.sem_alloc : memref<!tpu.dma_semaphore, #tpu.memory_space<semaphore_mem>>
      %dma_start3A = tpu.memref_slice %arg2[%mul3A_6] : memref<1048576xf32, #tpu.memory_space<hbm>> -> memref<16384xf32, #tpu.memory_space<hbm>>
      %dma_start3A_68 = tpu.memref_slice %arg2[%mul3A_6] : memref<1048576xf32, #tpu.memory_space<hbm>> -> memref<16384xf32, #tpu.memory_space<hbm>>
      tpu.enqueue_dma source(%dma_start3A_68 : memref<16384xf32, #tpu.memory_space<hbm>>) target(%arg6 : memref<16384xf32, #tpu.memory_space<vmem>>) target_semaphore(%run_scoped3A : memref<!tpu.dma_semaphore, #tpu.memory_space<semaphore_mem>>)
      %dma_wait3A_69 = tpu.memref_slice %arg2[%mul3A_6] : memref<1048576xf32, #tpu.memory_space<hbm>> -> memref<16384xf32, #tpu.memory_space<hbm>>
      %dma_wait3A_70 = tpu.memref_slice %arg2[%mul3A_6] : memref<1048576xf32, #tpu.memory_space<hbm>> -> memref<16384xf32, #tpu.memory_space<hbm>>
      tpu.wait_dma2 semaphore(%run_scoped3A : memref<!tpu.dma_semaphore, #tpu.memory_space<semaphore_mem>>) src(%dma_wait3A_70 : memref<16384xf32, #tpu.memory_space<hbm>>) dst(%arg6 : memref<16384xf32, #tpu.memory_space<vmem>>)
      tpu.yield
    }) : () -> ()
    %scan3A = arith.constant 0 : i32
    %scan3A_7 = arith.constant 0 : i32
    %scan3A_8 = arith.constant 4 : i32
    %scan3A_9 = arith.addi %scan3A_7, %scan3A_8 : i32
    %scan3A_10 = arith.constant 1 : i32
    %scan3A_11 = scf.for %scan3A_68 = %scan3A_7 to %scan3A_9 step %scan3A_10 iter_args(%scan3A_69 = %scan3A) -> (i32)  : i32 {
      %mul3A_70 = arith.constant 2 : i32
      %mul3A_71 = arith.muli %scan3A_68, %mul3A_70 : i32
      %add3A_72 = arith.constant 0 : i32
      %add3A_73 = arith.addi %mul3A_71, %add3A_72 : i32
      %gt3A = arith.constant 0 : i32
      %gt3A_74 = arith.cmpi sgt, %scan3A_68, %gt3A : i32
      %convert_element_type3A = arith.extui %gt3A_74 : i1 to i32
      %cond3A = arith.constant 0 : i32
      %cond3A_75 = arith.cmpi ne, %convert_element_type3A, %cond3A : i32
      scf.if %cond3A_75 {
        %sub3A = arith.constant 2 : i32
        %sub3A_170 = arith.subi %add3A_73, %sub3A : i32
        %mul3A_171 = arith.constant 2 : i32
        %mul3A_172 = arith.muli %sub3A_170, %mul3A_171 : i32
        %add3A_173 = arith.addi %mul3A_2, %mul3A_172 : i32
        %add3A_174 = arith.constant 0 : i32
        %add3A_175 = arith.addi %add3A_173, %add3A_174 : i32
        %mul3A_176 = arith.constant 2 : i32
        %mul3A_177 = arith.muli %sub3A_170, %mul3A_176 : i32
        %add3A_178 = arith.addi %mul3A_2, %mul3A_177 : i32
        %add3A_179 = arith.constant 1 : i32
        %add3A_180 = arith.addi %add3A_178, %add3A_179 : i32
        %dma_wait3A_181 = arith.constant 0 : i32
        %dma_wait3A_182 = tpu.memref_slice %arg7[%dma_wait3A_181] : memref<65600xf32, #tpu.memory_space<vmem>> -> memref<16385xf32, #tpu.memory_space<vmem>>
        %dma_wait3A_183 = arith.constant 0 : i32
        %dma_wait3A_184 = tpu.memref_slice %arg4[%add3A_175, %dma_wait3A_183] : memref<512x16385xf32, #tpu.memory_space<hbm>> -> memref<1x16385xf32, #tpu.memory_space<hbm>>
        %dma_wait3A_185 = tpu.memref_squeeze %dma_wait3A_184 : memref<1x16385xf32, #tpu.memory_space<hbm>> -> memref<16385xf32, #tpu.memory_space<hbm>>
        %dma_wait3A_186 = arith.constant 0 : i32
        %dma_wait3A_187 = tpu.memref_slice %arg4[%add3A_175, %dma_wait3A_186] : memref<512x16385xf32, #tpu.memory_space<hbm>> -> memref<1x16385xf32, #tpu.memory_space<hbm>>
        %dma_wait3A_188 = tpu.memref_squeeze %dma_wait3A_187 : memref<1x16385xf32, #tpu.memory_space<hbm>> -> memref<16385xf32, #tpu.memory_space<hbm>>
        %dma_wait3A_189 = arith.constant 0 : i32
        %dma_wait3A_190 = tpu.memref_slice %arg7[%dma_wait3A_189] : memref<65600xf32, #tpu.memory_space<vmem>> -> memref<16385xf32, #tpu.memory_space<vmem>>
        tpu.wait_dma2 semaphore(%arg8 : memref<!tpu.dma_semaphore, #tpu.memory_space<semaphore_mem>>) src(%dma_wait3A_190 : memref<16385xf32, #tpu.memory_space<vmem>>) dst(%dma_wait3A_188 : memref<16385xf32, #tpu.memory_space<hbm>>)
        %dma_wait3A_191 = arith.constant 16400 : i32
        %dma_wait3A_192 = tpu.memref_slice %arg7[%dma_wait3A_191] : memref<65600xf32, #tpu.memory_space<vmem>> -> memref<16385xf32, #tpu.memory_space<vmem>>
        %dma_wait3A_193 = arith.constant 0 : i32
        %dma_wait3A_194 = tpu.memref_slice %arg4[%add3A_180, %dma_wait3A_193] : memref<512x16385xf32, #tpu.memory_space<hbm>> -> memref<1x16385xf32, #tpu.memory_space<hbm>>
        %dma_wait3A_195 = tpu.memref_squeeze %dma_wait3A_194 : memref<1x16385xf32, #tpu.memory_space<hbm>> -> memref<16385xf32, #tpu.memory_space<hbm>>
        %dma_wait3A_196 = arith.constant 0 : i32
        %dma_wait3A_197 = tpu.memref_slice %arg4[%add3A_180, %dma_wait3A_196] : memref<512x16385xf32, #tpu.memory_space<hbm>> -> memref<1x16385xf32, #tpu.memory_space<hbm>>
        %dma_wait3A_198 = tpu.memref_squeeze %dma_wait3A_197 : memref<1x16385xf32, #tpu.memory_space<hbm>> -> memref<16385xf32, #tpu.memory_space<hbm>>
        %dma_wait3A_199 = arith.constant 16400 : i32
        %dma_wait3A_200 = tpu.memref_slice %arg7[%dma_wait3A_199] : memref<65600xf32, #tpu.memory_space<vmem>> -> memref<16385xf32, #tpu.memory_space<vmem>>
        tpu.wait_dma2 semaphore(%arg8 : memref<!tpu.dma_semaphore, #tpu.memory_space<semaphore_mem>>) src(%dma_wait3A_200 : memref<16385xf32, #tpu.memory_space<vmem>>) dst(%dma_wait3A_198 : memref<16385xf32, #tpu.memory_space<hbm>>)
      } else {
      }
      %mul3A_76 = arith.constant 2 : i32
      %mul3A_77 = arith.muli %add3A_73, %mul3A_76 : i32
      %mul3A_78 = arith.constant 1024 : i32
      %mul3A_79 = arith.muli %mul3A_77, %mul3A_78 : i32
      %mul3A_80 = arith.constant 2 : i32
      %mul3A_81 = arith.muli %add3A_73, %mul3A_80 : i32
      %add3A_82 = arith.constant 1 : i32
      %add3A_83 = arith.addi %mul3A_81, %add3A_82 : i32
      %mul3A_84 = arith.constant 1024 : i32
      %mul3A_85 = arith.muli %add3A_83, %mul3A_84 : i32
      %parallel_loop3A = arith.constant 0 : i32
      %parallel_loop3A_86 = arith.constant 1025 : i32
      %parallel_loop3A_87 = arith.constant 1 : i32
      scf.for %parallel_loop3A_170 = %parallel_loop3A to %parallel_loop3A_86 step %parallel_loop3A_87  : i32 {
        %parallel_loop3A_171 = arith.constant 16 : i32
        %parallel_loop3A_172 = arith.muli %parallel_loop3A_170, %parallel_loop3A_171 : i32
        %parallel_loop3A_173 = arith.index_cast %parallel_loop3A_172 : i32 to index
        %parallel_loop3A_174 = tpu.vector_load %arg5[%parallel_loop3A_173] {strides = array<i32>} : memref<16400xi32, #tpu.memory_space<vmem>>, vector<16xi32>,
        %parallel_loop3A_175 = vector.broadcast %mul3A_79 : i32 to vector<16xi32>
        %parallel_loop3A_176 = arith.addi %parallel_loop3A_174, %parallel_loop3A_175 : vector<16xi32>
        %parallel_loop3A_177 = tpu.vector_load_idx %arg6[%parallel_loop3A_176] : memref<16384xf32, #tpu.memory_space<vmem>>[vector<16xi32>], vector<16xf32>,
        %parallel_loop3A_178 = arith.constant 16 : i32
        %parallel_loop3A_179 = arith.muli %parallel_loop3A_170, %parallel_loop3A_178 : i32
        %parallel_loop3A_180 = arith.constant 0 : i32
        %parallel_loop3A_181 = arith.addi %parallel_loop3A_180, %parallel_loop3A_179 : i32
        %parallel_loop3A_182 = arith.index_cast %parallel_loop3A_181 : i32 to index
        %parallel_loop3A_183 = tpu.vector_load %arg7[%parallel_loop3A_182] {strides = array<i32>} : memref<65600xf32, #tpu.memory_space<vmem>>, vector<16xf32>,
        tpu.vector_store %arg7[%parallel_loop3A_182], %parallel_loop3A_177 {strides = array<i32>} : memref<65600xf32, #tpu.memory_space<vmem>>, vector<16xf32>,
        %parallel_loop3A_184 = vector.broadcast %mul3A_85 : i32 to vector<16xi32>
        %parallel_loop3A_185 = arith.addi %parallel_loop3A_174, %parallel_loop3A_184 : vector<16xi32>
        %parallel_loop3A_186 = tpu.vector_load_idx %arg6[%parallel_loop3A_185] : memref<16384xf32, #tpu.memory_space<vmem>>[vector<16xi32>], vector<16xf32>,
        %parallel_loop3A_187 = arith.constant 16 : i32
        %parallel_loop3A_188 = arith.muli %parallel_loop3A_170, %parallel_loop3A_187 : i32
        %parallel_loop3A_189 = arith.constant 16400 : i32
        %parallel_loop3A_190 = arith.addi %parallel_loop3A_189, %parallel_loop3A_188 : i32
        %parallel_loop3A_191 = arith.index_cast %parallel_loop3A_190 : i32 to index
        %parallel_loop3A_192 = tpu.vector_load %arg7[%parallel_loop3A_191] {strides = array<i32>} : memref<65600xf32, #tpu.memory_space<vmem>>, vector<16xf32>,
        tpu.vector_store %arg7[%parallel_loop3A_191], %parallel_loop3A_186 {strides = array<i32>} : memref<65600xf32, #tpu.memory_space<vmem>>, vector<16xf32>,
      } {sc.loop_unroll_factor = 8 : i64, sc.parallel_access}
      %mul3A_88 = arith.constant 2 : i32
      %mul3A_89 = arith.muli %add3A_73, %mul3A_88 : i32
      %add3A_90 = arith.addi %mul3A_2, %mul3A_89 : i32
      %add3A_91 = arith.constant 0 : i32
      %add3A_92 = arith.addi %add3A_90, %add3A_91 : i32
      %mul3A_93 = arith.constant 2 : i32
      %mul3A_94 = arith.muli %add3A_73, %mul3A_93 : i32
      %add3A_95 = arith.addi %mul3A_2, %mul3A_94 : i32
      %add3A_96 = arith.constant 1 : i32
      %add3A_97 = arith.addi %add3A_95, %add3A_96 : i32
      %dma_start3A = arith.constant 0 : i32
      %dma_start3A_98 = tpu.memref_slice %arg7[%dma_start3A] : memref<65600xf32, #tpu.memory_space<vmem>> -> memref<16385xf32, #tpu.memory_space<vmem>>
      %dma_start3A_99 = arith.constant 0 : i32
      %dma_start3A_100 = tpu.memref_slice %arg4[%add3A_92, %dma_start3A_99] : memref<512x16385xf32, #tpu.memory_space<hbm>> -> memref<1x16385xf32, #tpu.memory_space<hbm>>
      %dma_start3A_101 = tpu.memref_squeeze %dma_start3A_100 : memref<1x16385xf32, #tpu.memory_space<hbm>> -> memref<16385xf32, #tpu.memory_space<hbm>>
      %dma_start3A_102 = arith.constant 0 : i32
      %dma_start3A_103 = tpu.memref_slice %arg4[%add3A_92, %dma_start3A_102] : memref<512x16385xf32, #tpu.memory_space<hbm>> -> memref<1x16385xf32, #tpu.memory_space<hbm>>
      %dma_start3A_104 = tpu.memref_squeeze %dma_start3A_103 : memref<1x16385xf32, #tpu.memory_space<hbm>> -> memref<16385xf32, #tpu.memory_space<hbm>>
      %dma_start3A_105 = arith.constant 0 : i32
      %dma_start3A_106 = tpu.memref_slice %arg7[%dma_start3A_105] : memref<65600xf32, #tpu.memory_space<vmem>> -> memref<16385xf32, #tpu.memory_space<vmem>>
      tpu.enqueue_dma source(%dma_start3A_106 : memref<16385xf32, #tpu.memory_space<vmem>>) target(%dma_start3A_104 : memref<16385xf32, #tpu.memory_space<hbm>>) target_semaphore(%arg8 : memref<!tpu.dma_semaphore, #tpu.memory_space<semaphore_mem>>)
      %dma_start3A_107 = arith.constant 16400 : i32
      %dma_start3A_108 = tpu.memref_slice %arg7[%dma_start3A_107] : memref<65600xf32, #tpu.memory_space<vmem>> -> memref<16385xf32, #tpu.memory_space<vmem>>
      %dma_start3A_109 = arith.constant 0 : i32
      %dma_start3A_110 = tpu.memref_slice %arg4[%add3A_97, %dma_start3A_109] : memref<512x16385xf32, #tpu.memory_space<hbm>> -> memref<1x16385xf32, #tpu.memory_space<hbm>>
      %dma_start3A_111 = tpu.memref_squeeze %dma_start3A_110 : memref<1x16385xf32, #tpu.memory_space<hbm>> -> memref<16385xf32, #tpu.memory_space<hbm>>
      %dma_start3A_112 = arith.constant 0 : i32
      %dma_start3A_113 = tpu.memref_slice %arg4[%add3A_97, %dma_start3A_112] : memref<512x16385xf32, #tpu.memory_space<hbm>> -> memref<1x16385xf32, #tpu.memory_space<hbm>>
      %dma_start3A_114 = tpu.memref_squeeze %dma_start3A_113 : memref<1x16385xf32, #tpu.memory_space<hbm>> -> memref<16385xf32, #tpu.memory_space<hbm>>
      %dma_start3A_115 = arith.constant 16400 : i32
      %dma_start3A_116 = tpu.memref_slice %arg7[%dma_start3A_115] : memref<65600xf32, #tpu.memory_space<vmem>> -> memref<16385xf32, #tpu.memory_space<vmem>>
      tpu.enqueue_dma source(%dma_start3A_116 : memref<16385xf32, #tpu.memory_space<vmem>>) target(%dma_start3A_114 : memref<16385xf32, #tpu.memory_space<hbm>>) target_semaphore(%arg8 : memref<!tpu.dma_semaphore, #tpu.memory_space<semaphore_mem>>)
      %mul3A_117 = arith.constant 2 : i32
      %mul3A_118 = arith.muli %scan3A_68, %mul3A_117 : i32
      %add3A_119 = arith.constant 1 : i32
      %add3A_120 = arith.addi %mul3A_118, %add3A_119 : i32
      %gt3A_121 = arith.constant 0 : i32
      %gt3A_122 = arith.cmpi sgt, %scan3A_68, %gt3A_121 : i32
      %convert_element_type3A_123 = arith.extui %gt3A_122 : i1 to i32
      %cond3A_124 = arith.constant 0 : i32
      %cond3A_125 = arith.cmpi ne, %convert_element_type3A_123, %cond3A_124 : i32
      scf.if %cond3A_125 {
        %sub3A = arith.constant 2 : i32
        %sub3A_170 = arith.subi %add3A_120, %sub3A : i32
        %mul3A_171 = arith.constant 2 : i32
        %mul3A_172 = arith.muli %sub3A_170, %mul3A_171 : i32
        %add3A_173 = arith.addi %mul3A_2, %mul3A_172 : i32
        %add3A_174 = arith.constant 0 : i32
        %add3A_175 = arith.addi %add3A_173, %add3A_174 : i32
        %mul3A_176 = arith.constant 2 : i32
        %mul3A_177 = arith.muli %sub3A_170, %mul3A_176 : i32
        %add3A_178 = arith.addi %mul3A_2, %mul3A_177 : i32
        %add3A_179 = arith.constant 1 : i32
        %add3A_180 = arith.addi %add3A_178, %add3A_179 : i32
        %dma_wait3A_181 = arith.constant 32800 : i32
        %dma_wait3A_182 = tpu.memref_slice %arg7[%dma_wait3A_181] : memref<65600xf32, #tpu.memory_space<vmem>> -> memref<16385xf32, #tpu.memory_space<vmem>>
        %dma_wait3A_183 = arith.constant 0 : i32
        %dma_wait3A_184 = tpu.memref_slice %arg4[%add3A_175, %dma_wait3A_183] : memref<512x16385xf32, #tpu.memory_space<hbm>> -> memref<1x16385xf32, #tpu.memory_space<hbm>>
        %dma_wait3A_185 = tpu.memref_squeeze %dma_wait3A_184 : memref<1x16385xf32, #tpu.memory_space<hbm>> -> memref<16385xf32, #tpu.memory_space<hbm>>
        %dma_wait3A_186 = arith.constant 0 : i32
        %dma_wait3A_187 = tpu.memref_slice %arg4[%add3A_175, %dma_wait3A_186] : memref<512x16385xf32, #tpu.memory_space<hbm>> -> memref<1x16385xf32, #tpu.memory_space<hbm>>
        %dma_wait3A_188 = tpu.memref_squeeze %dma_wait3A_187 : memref<1x16385xf32, #tpu.memory_space<hbm>> -> memref<16385xf32, #tpu.memory_space<hbm>>
        %dma_wait3A_189 = arith.constant 32800 : i32
        %dma_wait3A_190 = tpu.memref_slice %arg7[%dma_wait3A_189] : memref<65600xf32, #tpu.memory_space<vmem>> -> memref<16385xf32, #tpu.memory_space<vmem>>
        tpu.wait_dma2 semaphore(%arg9 : memref<!tpu.dma_semaphore, #tpu.memory_space<semaphore_mem>>) src(%dma_wait3A_190 : memref<16385xf32, #tpu.memory_space<vmem>>) dst(%dma_wait3A_188 : memref<16385xf32, #tpu.memory_space<hbm>>)
        %dma_wait3A_191 = arith.constant 49200 : i32
        %dma_wait3A_192 = tpu.memref_slice %arg7[%dma_wait3A_191] : memref<65600xf32, #tpu.memory_space<vmem>> -> memref<16385xf32, #tpu.memory_space<vmem>>
        %dma_wait3A_193 = arith.constant 0 : i32
        %dma_wait3A_194 = tpu.memref_slice %arg4[%add3A_180, %dma_wait3A_193] : memref<512x16385xf32, #tpu.memory_space<hbm>> -> memref<1x16385xf32, #tpu.memory_space<hbm>>
        %dma_wait3A_195 = tpu.memref_squeeze %dma_wait3A_194 : memref<1x16385xf32, #tpu.memory_space<hbm>> -> memref<16385xf32, #tpu.memory_space<hbm>>
        %dma_wait3A_196 = arith.constant 0 : i32
        %dma_wait3A_197 = tpu.memref_slice %arg4[%add3A_180, %dma_wait3A_196] : memref<512x16385xf32, #tpu.memory_space<hbm>> -> memref<1x16385xf32, #tpu.memory_space<hbm>>
        %dma_wait3A_198 = tpu.memref_squeeze %dma_wait3A_197 : memref<1x16385xf32, #tpu.memory_space<hbm>> -> memref<16385xf32, #tpu.memory_space<hbm>>
        %dma_wait3A_199 = arith.constant 49200 : i32
        %dma_wait3A_200 = tpu.memref_slice %arg7[%dma_wait3A_199] : memref<65600xf32, #tpu.memory_space<vmem>> -> memref<16385xf32, #tpu.memory_space<vmem>>
        tpu.wait_dma2 semaphore(%arg9 : memref<!tpu.dma_semaphore, #tpu.memory_space<semaphore_mem>>) src(%dma_wait3A_200 : memref<16385xf32, #tpu.memory_space<vmem>>) dst(%dma_wait3A_198 : memref<16385xf32, #tpu.memory_space<hbm>>)
      } else {
      }
      %mul3A_126 = arith.constant 2 : i32
      %mul3A_127 = arith.muli %add3A_120, %mul3A_126 : i32
      %mul3A_128 = arith.constant 1024 : i32
      %mul3A_129 = arith.muli %mul3A_127, %mul3A_128 : i32
      %mul3A_130 = arith.constant 2 : i32
      %mul3A_131 = arith.muli %add3A_120, %mul3A_130 : i32
      %add3A_132 = arith.constant 1 : i32
      %add3A_133 = arith.addi %mul3A_131, %add3A_132 : i32
      %mul3A_134 = arith.constant 1024 : i32
      %mul3A_135 = arith.muli %add3A_133, %mul3A_134 : i32
      %parallel_loop3A_136 = arith.constant 0 : i32
      %parallel_loop3A_137 = arith.constant 1025 : i32
      %parallel_loop3A_138 = arith.constant 1 : i32
      scf.for %parallel_loop3A_170 = %parallel_loop3A_136 to %parallel_loop3A_137 step %parallel_loop3A_138  : i32 {
        %parallel_loop3A_171 = arith.constant 16 : i32
        %parallel_loop3A_172 = arith.muli %parallel_loop3A_170, %parallel_loop3A_171 : i32
        %parallel_loop3A_173 = arith.index_cast %parallel_loop3A_172 : i32 to index
        %parallel_loop3A_174 = tpu.vector_load %arg5[%parallel_loop3A_173] {strides = array<i32>} : memref<16400xi32, #tpu.memory_space<vmem>>, vector<16xi32>,
        %parallel_loop3A_175 = vector.broadcast %mul3A_129 : i32 to vector<16xi32>
        %parallel_loop3A_176 = arith.addi %parallel_loop3A_174, %parallel_loop3A_175 : vector<16xi32>
        %parallel_loop3A_177 = tpu.vector_load_idx %arg6[%parallel_loop3A_176] : memref<16384xf32, #tpu.memory_space<vmem>>[vector<16xi32>], vector<16xf32>,
        %parallel_loop3A_178 = arith.constant 16 : i32
        %parallel_loop3A_179 = arith.muli %parallel_loop3A_170, %parallel_loop3A_178 : i32
        %parallel_loop3A_180 = arith.constant 32800 : i32
        %parallel_loop3A_181 = arith.addi %parallel_loop3A_180, %parallel_loop3A_179 : i32
        %parallel_loop3A_182 = arith.index_cast %parallel_loop3A_181 : i32 to index
        %parallel_loop3A_183 = tpu.vector_load %arg7[%parallel_loop3A_182] {strides = array<i32>} : memref<65600xf32, #tpu.memory_space<vmem>>, vector<16xf32>,
        tpu.vector_store %arg7[%parallel_loop3A_182], %parallel_loop3A_177 {strides = array<i32>} : memref<65600xf32, #tpu.memory_space<vmem>>, vector<16xf32>,
        %parallel_loop3A_184 = vector.broadcast %mul3A_135 : i32 to vector<16xi32>
        %parallel_loop3A_185 = arith.addi %parallel_loop3A_174, %parallel_loop3A_184 : vector<16xi32>
        %parallel_loop3A_186 = tpu.vector_load_idx %arg6[%parallel_loop3A_185] : memref<16384xf32, #tpu.memory_space<vmem>>[vector<16xi32>], vector<16xf32>,
        %parallel_loop3A_187 = arith.constant 16 : i32
        %parallel_loop3A_188 = arith.muli %parallel_loop3A_170, %parallel_loop3A_187 : i32
        %parallel_loop3A_189 = arith.constant 49200 : i32
        %parallel_loop3A_190 = arith.addi %parallel_loop3A_189, %parallel_loop3A_188 : i32
        %parallel_loop3A_191 = arith.index_cast %parallel_loop3A_190 : i32 to index
        %parallel_loop3A_192 = tpu.vector_load %arg7[%parallel_loop3A_191] {strides = array<i32>} : memref<65600xf32, #tpu.memory_space<vmem>>, vector<16xf32>,
        tpu.vector_store %arg7[%parallel_loop3A_191], %parallel_loop3A_186 {strides = array<i32>} : memref<65600xf32, #tpu.memory_space<vmem>>, vector<16xf32>,
      } {sc.loop_unroll_factor = 8 : i64, sc.parallel_access}
      %mul3A_139 = arith.constant 2 : i32
      %mul3A_140 = arith.muli %add3A_120, %mul3A_139 : i32
      %add3A_141 = arith.addi %mul3A_2, %mul3A_140 : i32
      %add3A_142 = arith.constant 0 : i32
      %add3A_143 = arith.addi %add3A_141, %add3A_142 : i32
      %mul3A_144 = arith.constant 2 : i32
      %mul3A_145 = arith.muli %add3A_120, %mul3A_144 : i32
      %add3A_146 = arith.addi %mul3A_2, %mul3A_145 : i32
      %add3A_147 = arith.constant 1 : i32
      %add3A_148 = arith.addi %add3A_146, %add3A_147 : i32
      %dma_start3A_149 = arith.constant 32800 : i32
      %dma_start3A_150 = tpu.memref_slice %arg7[%dma_start3A_149] : memref<65600xf32, #tpu.memory_space<vmem>> -> memref<16385xf32, #tpu.memory_space<vmem>>
      %dma_start3A_151 = arith.constant 0 : i32
      %dma_start3A_152 = tpu.memref_slice %arg4[%add3A_143, %dma_start3A_151] : memref<512x16385xf32, #tpu.memory_space<hbm>> -> memref<1x16385xf32, #tpu.memory_space<hbm>>
      %dma_start3A_153 = tpu.memref_squeeze %dma_start3A_152 : memref<1x16385xf32, #tpu.memory_space<hbm>> -> memref<16385xf32, #tpu.memory_space<hbm>>
      %dma_start3A_154 = arith.constant 0 : i32
      %dma_start3A_155 = tpu.memref_slice %arg4[%add3A_143, %dma_start3A_154] : memref<512x16385xf32, #tpu.memory_space<hbm>> -> memref<1x16385xf32, #tpu.memory_space<hbm>>
      %dma_start3A_156 = tpu.memref_squeeze %dma_start3A_155 : memref<1x16385xf32, #tpu.memory_space<hbm>> -> memref<16385xf32, #tpu.memory_space<hbm>>
      %dma_start3A_157 = arith.constant 32800 : i32
      %dma_start3A_158 = tpu.memref_slice %arg7[%dma_start3A_157] : memref<65600xf32, #tpu.memory_space<vmem>> -> memref<16385xf32, #tpu.memory_space<vmem>>
      tpu.enqueue_dma source(%dma_start3A_158 : memref<16385xf32, #tpu.memory_space<vmem>>) target(%dma_start3A_156 : memref<16385xf32, #tpu.memory_space<hbm>>) target_semaphore(%arg9 : memref<!tpu.dma_semaphore, #tpu.memory_space<semaphore_mem>>)
      %dma_start3A_159 = arith.constant 49200 : i32
      %dma_start3A_160 = tpu.memref_slice %arg7[%dma_start3A_159] : memref<65600xf32, #tpu.memory_space<vmem>> -> memref<16385xf32, #tpu.memory_space<vmem>>
      %dma_start3A_161 = arith.constant 0 : i32
      %dma_start3A_162 = tpu.memref_slice %arg4[%add3A_148, %dma_start3A_161] : memref<512x16385xf32, #tpu.memory_space<hbm>> -> memref<1x16385xf32, #tpu.memory_space<hbm>>
      %dma_start3A_163 = tpu.memref_squeeze %dma_start3A_162 : memref<1x16385xf32, #tpu.memory_space<hbm>> -> memref<16385xf32, #tpu.memory_space<hbm>>
      %dma_start3A_164 = arith.constant 0 : i32
      %dma_start3A_165 = tpu.memref_slice %arg4[%add3A_148, %dma_start3A_164] : memref<512x16385xf32, #tpu.memory_space<hbm>> -> memref<1x16385xf32, #tpu.memory_space<hbm>>
      %dma_start3A_166 = tpu.memref_squeeze %dma_start3A_165 : memref<1x16385xf32, #tpu.memory_space<hbm>> -> memref<16385xf32, #tpu.memory_space<hbm>>
      %dma_start3A_167 = arith.constant 49200 : i32
      %dma_start3A_168 = tpu.memref_slice %arg7[%dma_start3A_167] : memref<65600xf32, #tpu.memory_space<vmem>> -> memref<16385xf32, #tpu.memory_space<vmem>>
      tpu.enqueue_dma source(%dma_start3A_168 : memref<16385xf32, #tpu.memory_space<vmem>>) target(%dma_start3A_166 : memref<16385xf32, #tpu.memory_space<hbm>>) target_semaphore(%arg9 : memref<!tpu.dma_semaphore, #tpu.memory_space<semaphore_mem>>)
      %scan3A_169 = arith.constant 0 : i32
      scf.yield %scan3A_169 : i32
    }
    %scan3A_12 = arith.constant 4 : i32
    %add3A_13 = arith.constant 12 : i32
    %add3A_14 = arith.addi %mul3A_2, %add3A_13 : i32
    %add3A_15 = arith.constant 0 : i32
    %add3A_16 = arith.addi %add3A_14, %add3A_15 : i32
    %add3A_17 = arith.constant 12 : i32
    %add3A_18 = arith.addi %mul3A_2, %add3A_17 : i32
    %add3A_19 = arith.constant 1 : i32
    %add3A_20 = arith.addi %add3A_18, %add3A_19 : i32
    %dma_wait3A = arith.constant 0 : i32
    %dma_wait3A_21 = tpu.memref_slice %arg7[%dma_wait3A] : memref<65600xf32, #tpu.memory_space<vmem>> -> memref<16385xf32, #tpu.memory_space<vmem>>
    %dma_wait3A_22 = arith.constant 0 : i32
    %dma_wait3A_23 = tpu.memref_slice %arg4[%add3A_16, %dma_wait3A_22] : memref<512x16385xf32, #tpu.memory_space<hbm>> -> memref<1x16385xf32, #tpu.memory_space<hbm>>
    %dma_wait3A_24 = tpu.memref_squeeze %dma_wait3A_23 : memref<1x16385xf32, #tpu.memory_space<hbm>> -> memref<16385xf32, #tpu.memory_space<hbm>>
    %dma_wait3A_25 = arith.constant 0 : i32
    %dma_wait3A_26 = tpu.memref_slice %arg4[%add3A_16, %dma_wait3A_25] : memref<512x16385xf32, #tpu.memory_space<hbm>> -> memref<1x16385xf32, #tpu.memory_space<hbm>>
    %dma_wait3A_27 = tpu.memref_squeeze %dma_wait3A_26 : memref<1x16385xf32, #tpu.memory_space<hbm>> -> memref<16385xf32, #tpu.memory_space<hbm>>
    %dma_wait3A_28 = arith.constant 0 : i32
    %dma_wait3A_29 = tpu.memref_slice %arg7[%dma_wait3A_28] : memref<65600xf32, #tpu.memory_space<vmem>> -> memref<16385xf32, #tpu.memory_space<vmem>>
    tpu.wait_dma2 semaphore(%arg8 : memref<!tpu.dma_semaphore, #tpu.memory_space<semaphore_mem>>) src(%dma_wait3A_29 : memref<16385xf32, #tpu.memory_space<vmem>>) dst(%dma_wait3A_27 : memref<16385xf32, #tpu.memory_space<hbm>>)
    %dma_wait3A_30 = arith.constant 16400 : i32
    %dma_wait3A_31 = tpu.memref_slice %arg7[%dma_wait3A_30] : memref<65600xf32, #tpu.memory_space<vmem>> -> memref<16385xf32, #tpu.memory_space<vmem>>
    %dma_wait3A_32 = arith.constant 0 : i32
    %dma_wait3A_33 = tpu.memref_slice %arg4[%add3A_20, %dma_wait3A_32] : memref<512x16385xf32, #tpu.memory_space<hbm>> -> memref<1x16385xf32, #tpu.memory_space<hbm>>
    %dma_wait3A_34 = tpu.memref_squeeze %dma_wait3A_33 : memref<1x16385xf32, #tpu.memory_space<hbm>> -> memref<16385xf32, #tpu.memory_space<hbm>>
    %dma_wait3A_35 = arith.constant 0 : i32
    %dma_wait3A_36 = tpu.memref_slice %arg4[%add3A_20, %dma_wait3A_35] : memref<512x16385xf32, #tpu.memory_space<hbm>> -> memref<1x16385xf32, #tpu.memory_space<hbm>>
    %dma_wait3A_37 = tpu.memref_squeeze %dma_wait3A_36 : memref<1x16385xf32, #tpu.memory_space<hbm>> -> memref<16385xf32, #tpu.memory_space<hbm>>
    %dma_wait3A_38 = arith.constant 16400 : i32
    %dma_wait3A_39 = tpu.memref_slice %arg7[%dma_wait3A_38] : memref<65600xf32, #tpu.memory_space<vmem>> -> memref<16385xf32, #tpu.memory_space<vmem>>
    tpu.wait_dma2 semaphore(%arg8 : memref<!tpu.dma_semaphore, #tpu.memory_space<semaphore_mem>>) src(%dma_wait3A_39 : memref<16385xf32, #tpu.memory_space<vmem>>) dst(%dma_wait3A_37 : memref<16385xf32, #tpu.memory_space<hbm>>)
    %add3A_40 = arith.constant 14 : i32
    %add3A_41 = arith.addi %mul3A_2, %add3A_40 : i32
    %add3A_42 = arith.constant 0 : i32
    %add3A_43 = arith.addi %add3A_41, %add3A_42 : i32
    %add3A_44 = arith.constant 14 : i32
    %add3A_45 = arith.addi %mul3A_2, %add3A_44 : i32
    %add3A_46 = arith.constant 1 : i32
    %add3A_47 = arith.addi %add3A_45, %add3A_46 : i32
    %dma_wait3A_48 = arith.constant 32800 : i32
    %dma_wait3A_49 = tpu.memref_slice %arg7[%dma_wait3A_48] : memref<65600xf32, #tpu.memory_space<vmem>> -> memref<16385xf32, #tpu.memory_space<vmem>>
    %dma_wait3A_50 = arith.constant 0 : i32
    %dma_wait3A_51 = tpu.memref_slice %arg4[%add3A_43, %dma_wait3A_50] : memref<512x16385xf32, #tpu.memory_space<hbm>> -> memref<1x16385xf32, #tpu.memory_space<hbm>>
    %dma_wait3A_52 = tpu.memref_squeeze %dma_wait3A_51 : memref<1x16385xf32, #tpu.memory_space<hbm>> -> memref<16385xf32, #tpu.memory_space<hbm>>
    %dma_wait3A_53 = arith.constant 0 : i32
    %dma_wait3A_54 = tpu.memref_slice %arg4[%add3A_43, %dma_wait3A_53] : memref<512x16385xf32, #tpu.memory_space<hbm>> -> memref<1x16385xf32, #tpu.memory_space<hbm>>
    %dma_wait3A_55 = tpu.memref_squeeze %dma_wait3A_54 : memref<1x16385xf32, #tpu.memory_space<hbm>> -> memref<16385xf32, #tpu.memory_space<hbm>>
    %dma_wait3A_56 = arith.constant 32800 : i32
    %dma_wait3A_57 = tpu.memref_slice %arg7[%dma_wait3A_56] : memref<65600xf32, #tpu.memory_space<vmem>> -> memref<16385xf32, #tpu.memory_space<vmem>>
    tpu.wait_dma2 semaphore(%arg9 : memref<!tpu.dma_semaphore, #tpu.memory_space<semaphore_mem>>) src(%dma_wait3A_57 : memref<16385xf32, #tpu.memory_space<vmem>>) dst(%dma_wait3A_55 : memref<16385xf32, #tpu.memory_space<hbm>>)
    %dma_wait3A_58 = arith.constant 49200 : i32
    %dma_wait3A_59 = tpu.memref_slice %arg7[%dma_wait3A_58] : memref<65600xf32, #tpu.memory_space<vmem>> -> memref<16385xf32, #tpu.memory_space<vmem>>
    %dma_wait3A_60 = arith.constant 0 : i32
    %dma_wait3A_61 = tpu.memref_slice %arg4[%add3A_47, %dma_wait3A_60] : memref<512x16385xf32, #tpu.memory_space<hbm>> -> memref<1x16385xf32, #tpu.memory_space<hbm>>
    %dma_wait3A_62 = tpu.memref_squeeze %dma_wait3A_61 : memref<1x16385xf32, #tpu.memory_space<hbm>> -> memref<16385xf32, #tpu.memory_space<hbm>>
    %dma_wait3A_63 = arith.constant 0 : i32
    %dma_wait3A_64 = tpu.memref_slice %arg4[%add3A_47, %dma_wait3A_63] : memref<512x16385xf32, #tpu.memory_space<hbm>> -> memref<1x16385xf32, #tpu.memory_space<hbm>>
    %dma_wait3A_65 = tpu.memref_squeeze %dma_wait3A_64 : memref<1x16385xf32, #tpu.memory_space<hbm>> -> memref<16385xf32, #tpu.memory_space<hbm>>
    %dma_wait3A_66 = arith.constant 49200 : i32
    %dma_wait3A_67 = tpu.memref_slice %arg7[%dma_wait3A_66] : memref<65600xf32, #tpu.memory_space<vmem>> -> memref<16385xf32, #tpu.memory_space<vmem>>
    tpu.wait_dma2 semaphore(%arg9 : memref<!tpu.dma_semaphore, #tpu.memory_space<semaphore_mem>>) src(%dma_wait3A_67 : memref<16385xf32, #tpu.memory_space<vmem>>) dst(%dma_wait3A_65 : memref<16385xf32, #tpu.memory_space<hbm>>)
    return
  }
}

module attributes {stable_mosaic.version = 14 : i64} {
  func.func @_topk_body(%arg0: i32, %arg1: memref<64x256xf32, #tpu.memory_space<vmem>>, %arg2: memref<64x1024xf32, #tpu.memory_space<vmem>>, %arg3: memref<16x256xi32, #tpu.memory_space<vmem>>) attributes {dimension_semantics = [#tpu.dimension_semantics<arbitrary>], iteration_bounds = array<i64: 4>, scalar_prefetch = 0 : i64, scratch_operands = 0 : i64, tpu.core_type = #tpu.core_type<tc>, window_params = [{transform_indices = @transform_0, window_bounds = array<i64: 64, 256>}, {pipeline_mode = #tpu.pipeline_mode<synchronous>, transform_indices = @transform_1, window_bounds = array<i64: 64, 1024>}, {transform_indices = @transform_2, window_bounds = array<i64: 16, 256>}]} {
    %get3A = arith.constant 0 : index
    %get3A_0 = arith.constant 0 : index
    %get3A_1 = vector.load %arg1[%get3A, %get3A_0] : memref<64x256xf32, #tpu.memory_space<vmem>>, vector<64x256xf32>
    %get3A_2 = arith.constant 0 : index
    %get3A_3 = arith.constant 0 : index
    %get3A_4 = vector.load %arg2[%get3A_2, %get3A_3] : memref<64x1024xf32, #tpu.memory_space<vmem>>, vector<64x1024xf32>
    %dot_general3A = arith.constant dense<0.000000e+00> : vector<1024x256xf32>
    %dot_general3A_5 = tpu.matmul %get3A_4, %get3A_1, %dot_general3A {dimension_numbers = #tpu.dot_dimension_numbers<[0], [0], [1], [1], [0, 1, 1, 1], [], []>, transpose_lhs_hint = false} : vector<64x1024xf32>, vector<64x256xf32>, vector<1024x256xf32> -> vector<1024x256xf32>
    %mul3A = arith.mulf %get3A_4, %get3A_4 : vector<64x1024xf32>
    %reduce_sum3A = arith.constant dense<0.000000e+00> : vector<1024xf32>
    %reduce_sum3A_6 = vector.multi_reduction <add>, %mul3A, %reduce_sum3A [0] : vector<64x1024xf32> to vector<1024xf32>
    %mul3A_7 = arith.mulf %get3A_1, %get3A_1 : vector<64x256xf32>
    %reduce_sum3A_8 = arith.constant dense<0.000000e+00> : vector<256xf32>
    %reduce_sum3A_9 = vector.multi_reduction <add>, %mul3A_7, %reduce_sum3A_8 [0] : vector<64x256xf32> to vector<256xf32>
    %mul3A_10 = arith.constant -2.000000e+00 : f32
    %mul3A_11 = vector.broadcast %mul3A_10 : f32 to vector<1024x256xf32>
    %mul3A_12 = arith.mulf %dot_general3A_5, %mul3A_11 : vector<1024x256xf32>
    %broadcast_in_dim3A = vector.shape_cast %reduce_sum3A_6 : vector<1024xf32> to vector<1024x1xf32>
    %add3A = vector.broadcast %broadcast_in_dim3A : vector<1024x1xf32> to vector<1024x256xf32>
    %add3A_13 = arith.addf %mul3A_12, %add3A : vector<1024x256xf32>
    %broadcast_in_dim3A_14 = vector.shape_cast %reduce_sum3A_9 : vector<256xf32> to vector<1x256xf32>
    %add3A_15 = vector.broadcast %broadcast_in_dim3A_14 : vector<1x256xf32> to vector<1024x256xf32>
    %add3A_16 = arith.addf %add3A_13, %add3A_15 : vector<1024x256xf32>
    %max3A = arith.constant 0.000000e+00 : f32
    %max3A_17 = vector.broadcast %max3A : f32 to vector<1024x256xf32>
    %max3A_18 = arith.maximumf %add3A_16, %max3A_17 : vector<1024x256xf32>
    %sqrt3A = math.sqrt %max3A_18 : vector<1024x256xf32>
    %iota3A = tpu.iota {dimensions = array<i32: 0>} : vector<1024x256xi32>
    %reduce_min3A = arith.constant dense<0x7F800000> : vector<256xf32>
    %reduce_min3A_19 = vector.multi_reduction <minimumf>, %sqrt3A, %reduce_min3A [0] : vector<1024x256xf32> to vector<256xf32>
    %broadcast_in_dim3A_20 = vector.shape_cast %reduce_min3A_19 : vector<256xf32> to vector<1x256xf32>
    %eq3A = vector.broadcast %broadcast_in_dim3A_20 : vector<1x256xf32> to vector<1024x256xf32>
    %eq3A_21 = arith.cmpf oeq, %sqrt3A, %eq3A : vector<1024x256xf32>
    %jit3A = arith.constant 1024 : i32
    %broadcast_in_dim3A_22 = vector.broadcast %jit3A : i32 to vector<1024x256xi32>
    %select_n3A = arith.select %eq3A_21, %iota3A, %broadcast_in_dim3A_22 : vector<1024x256xi1>, vector<1024x256xi32>
    %reduce_min3A_23 = arith.constant dense<2147483647> : vector<256xi32>
    %reduce_min3A_24 = vector.multi_reduction <minsi>, %select_n3A, %reduce_min3A_23 [0] : vector<1024x256xi32> to vector<256xi32>
    %broadcast_in_dim3A_25 = vector.shape_cast %reduce_min3A_24 : vector<256xi32> to vector<1x256xi32>
    %eq3A_26 = vector.broadcast %broadcast_in_dim3A_25 : vector<1x256xi32> to vector<1024x256xi32>
    %eq3A_27 = arith.cmpi eq, %iota3A, %eq3A_26 : vector<1024x256xi32>
    %jit3A_28 = arith.constant 0x7F800000 : f32
    %broadcast_in_dim3A_29 = vector.broadcast %jit3A_28 : f32 to vector<1024x256xf32>
    %select_n3A_30 = arith.select %eq3A_27, %broadcast_in_dim3A_29, %sqrt3A : vector<1024x256xi1>, vector<1024x256xf32>
    %reduce_min3A_31 = arith.constant dense<0x7F800000> : vector<256xf32>
    %reduce_min3A_32 = vector.multi_reduction <minimumf>, %select_n3A_30, %reduce_min3A_31 [0] : vector<1024x256xf32> to vector<256xf32>
    %broadcast_in_dim3A_33 = vector.shape_cast %reduce_min3A_32 : vector<256xf32> to vector<1x256xf32>
    %eq3A_34 = vector.broadcast %broadcast_in_dim3A_33 : vector<1x256xf32> to vector<1024x256xf32>
    %eq3A_35 = arith.cmpf oeq, %select_n3A_30, %eq3A_34 : vector<1024x256xf32>
    %jit3A_36 = arith.constant 1024 : i32
    %broadcast_in_dim3A_37 = vector.broadcast %jit3A_36 : i32 to vector<1024x256xi32>
    %select_n3A_38 = arith.select %eq3A_35, %iota3A, %broadcast_in_dim3A_37 : vector<1024x256xi1>, vector<1024x256xi32>
    %reduce_min3A_39 = arith.constant dense<2147483647> : vector<256xi32>
    %reduce_min3A_40 = vector.multi_reduction <minsi>, %select_n3A_38, %reduce_min3A_39 [0] : vector<1024x256xi32> to vector<256xi32>
    %broadcast_in_dim3A_41 = vector.shape_cast %reduce_min3A_40 : vector<256xi32> to vector<1x256xi32>
    %eq3A_42 = vector.broadcast %broadcast_in_dim3A_41 : vector<1x256xi32> to vector<1024x256xi32>
    %eq3A_43 = arith.cmpi eq, %iota3A, %eq3A_42 : vector<1024x256xi32>
    %jit3A_44 = arith.constant 0x7F800000 : f32
    %broadcast_in_dim3A_45 = vector.broadcast %jit3A_44 : f32 to vector<1024x256xf32>
    %select_n3A_46 = arith.select %eq3A_43, %broadcast_in_dim3A_45, %select_n3A_30 : vector<1024x256xi1>, vector<1024x256xf32>
    %reduce_min3A_47 = arith.constant dense<0x7F800000> : vector<256xf32>
    %reduce_min3A_48 = vector.multi_reduction <minimumf>, %select_n3A_46, %reduce_min3A_47 [0] : vector<1024x256xf32> to vector<256xf32>
    %broadcast_in_dim3A_49 = vector.shape_cast %reduce_min3A_48 : vector<256xf32> to vector<1x256xf32>
    %eq3A_50 = vector.broadcast %broadcast_in_dim3A_49 : vector<1x256xf32> to vector<1024x256xf32>
    %eq3A_51 = arith.cmpf oeq, %select_n3A_46, %eq3A_50 : vector<1024x256xf32>
    %jit3A_52 = arith.constant 1024 : i32
    %broadcast_in_dim3A_53 = vector.broadcast %jit3A_52 : i32 to vector<1024x256xi32>
    %select_n3A_54 = arith.select %eq3A_51, %iota3A, %broadcast_in_dim3A_53 : vector<1024x256xi1>, vector<1024x256xi32>
    %reduce_min3A_55 = arith.constant dense<2147483647> : vector<256xi32>
    %reduce_min3A_56 = vector.multi_reduction <minsi>, %select_n3A_54, %reduce_min3A_55 [0] : vector<1024x256xi32> to vector<256xi32>
    %broadcast_in_dim3A_57 = vector.shape_cast %reduce_min3A_56 : vector<256xi32> to vector<1x256xi32>
    %eq3A_58 = vector.broadcast %broadcast_in_dim3A_57 : vector<1x256xi32> to vector<1024x256xi32>
    %eq3A_59 = arith.cmpi eq, %iota3A, %eq3A_58 : vector<1024x256xi32>
    %jit3A_60 = arith.constant 0x7F800000 : f32
    %broadcast_in_dim3A_61 = vector.broadcast %jit3A_60 : f32 to vector<1024x256xf32>
    %select_n3A_62 = arith.select %eq3A_59, %broadcast_in_dim3A_61, %select_n3A_46 : vector<1024x256xi1>, vector<1024x256xf32>
    %reduce_min3A_63 = arith.constant dense<0x7F800000> : vector<256xf32>
    %reduce_min3A_64 = vector.multi_reduction <minimumf>, %select_n3A_62, %reduce_min3A_63 [0] : vector<1024x256xf32> to vector<256xf32>
    %broadcast_in_dim3A_65 = vector.shape_cast %reduce_min3A_64 : vector<256xf32> to vector<1x256xf32>
    %eq3A_66 = vector.broadcast %broadcast_in_dim3A_65 : vector<1x256xf32> to vector<1024x256xf32>
    %eq3A_67 = arith.cmpf oeq, %select_n3A_62, %eq3A_66 : vector<1024x256xf32>
    %jit3A_68 = arith.constant 1024 : i32
    %broadcast_in_dim3A_69 = vector.broadcast %jit3A_68 : i32 to vector<1024x256xi32>
    %select_n3A_70 = arith.select %eq3A_67, %iota3A, %broadcast_in_dim3A_69 : vector<1024x256xi1>, vector<1024x256xi32>
    %reduce_min3A_71 = arith.constant dense<2147483647> : vector<256xi32>
    %reduce_min3A_72 = vector.multi_reduction <minsi>, %select_n3A_70, %reduce_min3A_71 [0] : vector<1024x256xi32> to vector<256xi32>
    %broadcast_in_dim3A_73 = vector.shape_cast %reduce_min3A_72 : vector<256xi32> to vector<1x256xi32>
    %eq3A_74 = vector.broadcast %broadcast_in_dim3A_73 : vector<1x256xi32> to vector<1024x256xi32>
    %eq3A_75 = arith.cmpi eq, %iota3A, %eq3A_74 : vector<1024x256xi32>
    %jit3A_76 = arith.constant 0x7F800000 : f32
    %broadcast_in_dim3A_77 = vector.broadcast %jit3A_76 : f32 to vector<1024x256xf32>
    %select_n3A_78 = arith.select %eq3A_75, %broadcast_in_dim3A_77, %select_n3A_62 : vector<1024x256xi1>, vector<1024x256xf32>
    %reduce_min3A_79 = arith.constant dense<0x7F800000> : vector<256xf32>
    %reduce_min3A_80 = vector.multi_reduction <minimumf>, %select_n3A_78, %reduce_min3A_79 [0] : vector<1024x256xf32> to vector<256xf32>
    %broadcast_in_dim3A_81 = vector.shape_cast %reduce_min3A_80 : vector<256xf32> to vector<1x256xf32>
    %eq3A_82 = vector.broadcast %broadcast_in_dim3A_81 : vector<1x256xf32> to vector<1024x256xf32>
    %eq3A_83 = arith.cmpf oeq, %select_n3A_78, %eq3A_82 : vector<1024x256xf32>
    %jit3A_84 = arith.constant 1024 : i32
    %broadcast_in_dim3A_85 = vector.broadcast %jit3A_84 : i32 to vector<1024x256xi32>
    %select_n3A_86 = arith.select %eq3A_83, %iota3A, %broadcast_in_dim3A_85 : vector<1024x256xi1>, vector<1024x256xi32>
    %reduce_min3A_87 = arith.constant dense<2147483647> : vector<256xi32>
    %reduce_min3A_88 = vector.multi_reduction <minsi>, %select_n3A_86, %reduce_min3A_87 [0] : vector<1024x256xi32> to vector<256xi32>
    %broadcast_in_dim3A_89 = vector.shape_cast %reduce_min3A_88 : vector<256xi32> to vector<1x256xi32>
    %eq3A_90 = vector.broadcast %broadcast_in_dim3A_89 : vector<1x256xi32> to vector<1024x256xi32>
    %eq3A_91 = arith.cmpi eq, %iota3A, %eq3A_90 : vector<1024x256xi32>
    %jit3A_92 = arith.constant 0x7F800000 : f32
    %broadcast_in_dim3A_93 = vector.broadcast %jit3A_92 : f32 to vector<1024x256xf32>
    %select_n3A_94 = arith.select %eq3A_91, %broadcast_in_dim3A_93, %select_n3A_78 : vector<1024x256xi1>, vector<1024x256xf32>
    %reduce_min3A_95 = arith.constant dense<0x7F800000> : vector<256xf32>
    %reduce_min3A_96 = vector.multi_reduction <minimumf>, %select_n3A_94, %reduce_min3A_95 [0] : vector<1024x256xf32> to vector<256xf32>
    %broadcast_in_dim3A_97 = vector.shape_cast %reduce_min3A_96 : vector<256xf32> to vector<1x256xf32>
    %eq3A_98 = vector.broadcast %broadcast_in_dim3A_97 : vector<1x256xf32> to vector<1024x256xf32>
    %eq3A_99 = arith.cmpf oeq, %select_n3A_94, %eq3A_98 : vector<1024x256xf32>
    %jit3A_100 = arith.constant 1024 : i32
    %broadcast_in_dim3A_101 = vector.broadcast %jit3A_100 : i32 to vector<1024x256xi32>
    %select_n3A_102 = arith.select %eq3A_99, %iota3A, %broadcast_in_dim3A_101 : vector<1024x256xi1>, vector<1024x256xi32>
    %reduce_min3A_103 = arith.constant dense<2147483647> : vector<256xi32>
    %reduce_min3A_104 = vector.multi_reduction <minsi>, %select_n3A_102, %reduce_min3A_103 [0] : vector<1024x256xi32> to vector<256xi32>
    %broadcast_in_dim3A_105 = vector.shape_cast %reduce_min3A_104 : vector<256xi32> to vector<1x256xi32>
    %eq3A_106 = vector.broadcast %broadcast_in_dim3A_105 : vector<1x256xi32> to vector<1024x256xi32>
    %eq3A_107 = arith.cmpi eq, %iota3A, %eq3A_106 : vector<1024x256xi32>
    %jit3A_108 = arith.constant 0x7F800000 : f32
    %broadcast_in_dim3A_109 = vector.broadcast %jit3A_108 : f32 to vector<1024x256xf32>
    %select_n3A_110 = arith.select %eq3A_107, %broadcast_in_dim3A_109, %select_n3A_94 : vector<1024x256xi1>, vector<1024x256xf32>
    %reduce_min3A_111 = arith.constant dense<0x7F800000> : vector<256xf32>
    %reduce_min3A_112 = vector.multi_reduction <minimumf>, %select_n3A_110, %reduce_min3A_111 [0] : vector<1024x256xf32> to vector<256xf32>
    %broadcast_in_dim3A_113 = vector.shape_cast %reduce_min3A_112 : vector<256xf32> to vector<1x256xf32>
    %eq3A_114 = vector.broadcast %broadcast_in_dim3A_113 : vector<1x256xf32> to vector<1024x256xf32>
    %eq3A_115 = arith.cmpf oeq, %select_n3A_110, %eq3A_114 : vector<1024x256xf32>
    %jit3A_116 = arith.constant 1024 : i32
    %broadcast_in_dim3A_117 = vector.broadcast %jit3A_116 : i32 to vector<1024x256xi32>
    %select_n3A_118 = arith.select %eq3A_115, %iota3A, %broadcast_in_dim3A_117 : vector<1024x256xi1>, vector<1024x256xi32>
    %reduce_min3A_119 = arith.constant dense<2147483647> : vector<256xi32>
    %reduce_min3A_120 = vector.multi_reduction <minsi>, %select_n3A_118, %reduce_min3A_119 [0] : vector<1024x256xi32> to vector<256xi32>
    %broadcast_in_dim3A_121 = vector.shape_cast %reduce_min3A_120 : vector<256xi32> to vector<1x256xi32>
    %eq3A_122 = vector.broadcast %broadcast_in_dim3A_121 : vector<1x256xi32> to vector<1024x256xi32>
    %eq3A_123 = arith.cmpi eq, %iota3A, %eq3A_122 : vector<1024x256xi32>
    %jit3A_124 = arith.constant 0x7F800000 : f32
    %broadcast_in_dim3A_125 = vector.broadcast %jit3A_124 : f32 to vector<1024x256xf32>
    %select_n3A_126 = arith.select %eq3A_123, %broadcast_in_dim3A_125, %select_n3A_110 : vector<1024x256xi1>, vector<1024x256xf32>
    %reduce_min3A_127 = arith.constant dense<0x7F800000> : vector<256xf32>
    %reduce_min3A_128 = vector.multi_reduction <minimumf>, %select_n3A_126, %reduce_min3A_127 [0] : vector<1024x256xf32> to vector<256xf32>
    %broadcast_in_dim3A_129 = vector.shape_cast %reduce_min3A_128 : vector<256xf32> to vector<1x256xf32>
    %eq3A_130 = vector.broadcast %broadcast_in_dim3A_129 : vector<1x256xf32> to vector<1024x256xf32>
    %eq3A_131 = arith.cmpf oeq, %select_n3A_126, %eq3A_130 : vector<1024x256xf32>
    %jit3A_132 = arith.constant 1024 : i32
    %broadcast_in_dim3A_133 = vector.broadcast %jit3A_132 : i32 to vector<1024x256xi32>
    %select_n3A_134 = arith.select %eq3A_131, %iota3A, %broadcast_in_dim3A_133 : vector<1024x256xi1>, vector<1024x256xi32>
    %reduce_min3A_135 = arith.constant dense<2147483647> : vector<256xi32>
    %reduce_min3A_136 = vector.multi_reduction <minsi>, %select_n3A_134, %reduce_min3A_135 [0] : vector<1024x256xi32> to vector<256xi32>
    %broadcast_in_dim3A_137 = vector.shape_cast %reduce_min3A_136 : vector<256xi32> to vector<1x256xi32>
    %eq3A_138 = vector.broadcast %broadcast_in_dim3A_137 : vector<1x256xi32> to vector<1024x256xi32>
    %eq3A_139 = arith.cmpi eq, %iota3A, %eq3A_138 : vector<1024x256xi32>
    %jit3A_140 = arith.constant 0x7F800000 : f32
    %broadcast_in_dim3A_141 = vector.broadcast %jit3A_140 : f32 to vector<1024x256xf32>
    %select_n3A_142 = arith.select %eq3A_139, %broadcast_in_dim3A_141, %select_n3A_126 : vector<1024x256xi1>, vector<1024x256xf32>
    %reduce_min3A_143 = arith.constant dense<0x7F800000> : vector<256xf32>
    %reduce_min3A_144 = vector.multi_reduction <minimumf>, %select_n3A_142, %reduce_min3A_143 [0] : vector<1024x256xf32> to vector<256xf32>
    %broadcast_in_dim3A_145 = vector.shape_cast %reduce_min3A_144 : vector<256xf32> to vector<1x256xf32>
    %eq3A_146 = vector.broadcast %broadcast_in_dim3A_145 : vector<1x256xf32> to vector<1024x256xf32>
    %eq3A_147 = arith.cmpf oeq, %select_n3A_142, %eq3A_146 : vector<1024x256xf32>
    %jit3A_148 = arith.constant 1024 : i32
    %broadcast_in_dim3A_149 = vector.broadcast %jit3A_148 : i32 to vector<1024x256xi32>
    %select_n3A_150 = arith.select %eq3A_147, %iota3A, %broadcast_in_dim3A_149 : vector<1024x256xi1>, vector<1024x256xi32>
    %reduce_min3A_151 = arith.constant dense<2147483647> : vector<256xi32>
    %reduce_min3A_152 = vector.multi_reduction <minsi>, %select_n3A_150, %reduce_min3A_151 [0] : vector<1024x256xi32> to vector<256xi32>
    %broadcast_in_dim3A_153 = vector.shape_cast %reduce_min3A_152 : vector<256xi32> to vector<1x256xi32>
    %eq3A_154 = vector.broadcast %broadcast_in_dim3A_153 : vector<1x256xi32> to vector<1024x256xi32>
    %eq3A_155 = arith.cmpi eq, %iota3A, %eq3A_154 : vector<1024x256xi32>
    %jit3A_156 = arith.constant 0x7F800000 : f32
    %broadcast_in_dim3A_157 = vector.broadcast %jit3A_156 : f32 to vector<1024x256xf32>
    %select_n3A_158 = arith.select %eq3A_155, %broadcast_in_dim3A_157, %select_n3A_142 : vector<1024x256xi1>, vector<1024x256xf32>
    %reduce_min3A_159 = arith.constant dense<0x7F800000> : vector<256xf32>
    %reduce_min3A_160 = vector.multi_reduction <minimumf>, %select_n3A_158, %reduce_min3A_159 [0] : vector<1024x256xf32> to vector<256xf32>
    %broadcast_in_dim3A_161 = vector.shape_cast %reduce_min3A_160 : vector<256xf32> to vector<1x256xf32>
    %eq3A_162 = vector.broadcast %broadcast_in_dim3A_161 : vector<1x256xf32> to vector<1024x256xf32>
    %eq3A_163 = arith.cmpf oeq, %select_n3A_158, %eq3A_162 : vector<1024x256xf32>
    %jit3A_164 = arith.constant 1024 : i32
    %broadcast_in_dim3A_165 = vector.broadcast %jit3A_164 : i32 to vector<1024x256xi32>
    %select_n3A_166 = arith.select %eq3A_163, %iota3A, %broadcast_in_dim3A_165 : vector<1024x256xi1>, vector<1024x256xi32>
    %reduce_min3A_167 = arith.constant dense<2147483647> : vector<256xi32>
    %reduce_min3A_168 = vector.multi_reduction <minsi>, %select_n3A_166, %reduce_min3A_167 [0] : vector<1024x256xi32> to vector<256xi32>
    %broadcast_in_dim3A_169 = vector.shape_cast %reduce_min3A_168 : vector<256xi32> to vector<1x256xi32>
    %eq3A_170 = vector.broadcast %broadcast_in_dim3A_169 : vector<1x256xi32> to vector<1024x256xi32>
    %eq3A_171 = arith.cmpi eq, %iota3A, %eq3A_170 : vector<1024x256xi32>
    %jit3A_172 = arith.constant 0x7F800000 : f32
    %broadcast_in_dim3A_173 = vector.broadcast %jit3A_172 : f32 to vector<1024x256xf32>
    %select_n3A_174 = arith.select %eq3A_171, %broadcast_in_dim3A_173, %select_n3A_158 : vector<1024x256xi1>, vector<1024x256xf32>
    %reduce_min3A_175 = arith.constant dense<0x7F800000> : vector<256xf32>
    %reduce_min3A_176 = vector.multi_reduction <minimumf>, %select_n3A_174, %reduce_min3A_175 [0] : vector<1024x256xf32> to vector<256xf32>
    %broadcast_in_dim3A_177 = vector.shape_cast %reduce_min3A_176 : vector<256xf32> to vector<1x256xf32>
    %eq3A_178 = vector.broadcast %broadcast_in_dim3A_177 : vector<1x256xf32> to vector<1024x256xf32>
    %eq3A_179 = arith.cmpf oeq, %select_n3A_174, %eq3A_178 : vector<1024x256xf32>
    %jit3A_180 = arith.constant 1024 : i32
    %broadcast_in_dim3A_181 = vector.broadcast %jit3A_180 : i32 to vector<1024x256xi32>
    %select_n3A_182 = arith.select %eq3A_179, %iota3A, %broadcast_in_dim3A_181 : vector<1024x256xi1>, vector<1024x256xi32>
    %reduce_min3A_183 = arith.constant dense<2147483647> : vector<256xi32>
    %reduce_min3A_184 = vector.multi_reduction <minsi>, %select_n3A_182, %reduce_min3A_183 [0] : vector<1024x256xi32> to vector<256xi32>
    %broadcast_in_dim3A_185 = vector.shape_cast %reduce_min3A_184 : vector<256xi32> to vector<1x256xi32>
    %eq3A_186 = vector.broadcast %broadcast_in_dim3A_185 : vector<1x256xi32> to vector<1024x256xi32>
    %eq3A_187 = arith.cmpi eq, %iota3A, %eq3A_186 : vector<1024x256xi32>
    %jit3A_188 = arith.constant 0x7F800000 : f32
    %broadcast_in_dim3A_189 = vector.broadcast %jit3A_188 : f32 to vector<1024x256xf32>
    %select_n3A_190 = arith.select %eq3A_187, %broadcast_in_dim3A_189, %select_n3A_174 : vector<1024x256xi1>, vector<1024x256xf32>
    %reduce_min3A_191 = arith.constant dense<0x7F800000> : vector<256xf32>
    %reduce_min3A_192 = vector.multi_reduction <minimumf>, %select_n3A_190, %reduce_min3A_191 [0] : vector<1024x256xf32> to vector<256xf32>
    %broadcast_in_dim3A_193 = vector.shape_cast %reduce_min3A_192 : vector<256xf32> to vector<1x256xf32>
    %eq3A_194 = vector.broadcast %broadcast_in_dim3A_193 : vector<1x256xf32> to vector<1024x256xf32>
    %eq3A_195 = arith.cmpf oeq, %select_n3A_190, %eq3A_194 : vector<1024x256xf32>
    %jit3A_196 = arith.constant 1024 : i32
    %broadcast_in_dim3A_197 = vector.broadcast %jit3A_196 : i32 to vector<1024x256xi32>
    %select_n3A_198 = arith.select %eq3A_195, %iota3A, %broadcast_in_dim3A_197 : vector<1024x256xi1>, vector<1024x256xi32>
    %reduce_min3A_199 = arith.constant dense<2147483647> : vector<256xi32>
    %reduce_min3A_200 = vector.multi_reduction <minsi>, %select_n3A_198, %reduce_min3A_199 [0] : vector<1024x256xi32> to vector<256xi32>
    %broadcast_in_dim3A_201 = vector.shape_cast %reduce_min3A_200 : vector<256xi32> to vector<1x256xi32>
    %eq3A_202 = vector.broadcast %broadcast_in_dim3A_201 : vector<1x256xi32> to vector<1024x256xi32>
    %eq3A_203 = arith.cmpi eq, %iota3A, %eq3A_202 : vector<1024x256xi32>
    %jit3A_204 = arith.constant 0x7F800000 : f32
    %broadcast_in_dim3A_205 = vector.broadcast %jit3A_204 : f32 to vector<1024x256xf32>
    %select_n3A_206 = arith.select %eq3A_203, %broadcast_in_dim3A_205, %select_n3A_190 : vector<1024x256xi1>, vector<1024x256xf32>
    %reduce_min3A_207 = arith.constant dense<0x7F800000> : vector<256xf32>
    %reduce_min3A_208 = vector.multi_reduction <minimumf>, %select_n3A_206, %reduce_min3A_207 [0] : vector<1024x256xf32> to vector<256xf32>
    %broadcast_in_dim3A_209 = vector.shape_cast %reduce_min3A_208 : vector<256xf32> to vector<1x256xf32>
    %eq3A_210 = vector.broadcast %broadcast_in_dim3A_209 : vector<1x256xf32> to vector<1024x256xf32>
    %eq3A_211 = arith.cmpf oeq, %select_n3A_206, %eq3A_210 : vector<1024x256xf32>
    %jit3A_212 = arith.constant 1024 : i32
    %broadcast_in_dim3A_213 = vector.broadcast %jit3A_212 : i32 to vector<1024x256xi32>
    %select_n3A_214 = arith.select %eq3A_211, %iota3A, %broadcast_in_dim3A_213 : vector<1024x256xi1>, vector<1024x256xi32>
    %reduce_min3A_215 = arith.constant dense<2147483647> : vector<256xi32>
    %reduce_min3A_216 = vector.multi_reduction <minsi>, %select_n3A_214, %reduce_min3A_215 [0] : vector<1024x256xi32> to vector<256xi32>
    %broadcast_in_dim3A_217 = vector.shape_cast %reduce_min3A_216 : vector<256xi32> to vector<1x256xi32>
    %eq3A_218 = vector.broadcast %broadcast_in_dim3A_217 : vector<1x256xi32> to vector<1024x256xi32>
    %eq3A_219 = arith.cmpi eq, %iota3A, %eq3A_218 : vector<1024x256xi32>
    %jit3A_220 = arith.constant 0x7F800000 : f32
    %broadcast_in_dim3A_221 = vector.broadcast %jit3A_220 : f32 to vector<1024x256xf32>
    %select_n3A_222 = arith.select %eq3A_219, %broadcast_in_dim3A_221, %select_n3A_206 : vector<1024x256xi1>, vector<1024x256xf32>
    %reduce_min3A_223 = arith.constant dense<0x7F800000> : vector<256xf32>
    %reduce_min3A_224 = vector.multi_reduction <minimumf>, %select_n3A_222, %reduce_min3A_223 [0] : vector<1024x256xf32> to vector<256xf32>
    %broadcast_in_dim3A_225 = vector.shape_cast %reduce_min3A_224 : vector<256xf32> to vector<1x256xf32>
    %eq3A_226 = vector.broadcast %broadcast_in_dim3A_225 : vector<1x256xf32> to vector<1024x256xf32>
    %eq3A_227 = arith.cmpf oeq, %select_n3A_222, %eq3A_226 : vector<1024x256xf32>
    %jit3A_228 = arith.constant 1024 : i32
    %broadcast_in_dim3A_229 = vector.broadcast %jit3A_228 : i32 to vector<1024x256xi32>
    %select_n3A_230 = arith.select %eq3A_227, %iota3A, %broadcast_in_dim3A_229 : vector<1024x256xi1>, vector<1024x256xi32>
    %reduce_min3A_231 = arith.constant dense<2147483647> : vector<256xi32>
    %reduce_min3A_232 = vector.multi_reduction <minsi>, %select_n3A_230, %reduce_min3A_231 [0] : vector<1024x256xi32> to vector<256xi32>
    %broadcast_in_dim3A_233 = vector.shape_cast %reduce_min3A_232 : vector<256xi32> to vector<1x256xi32>
    %eq3A_234 = vector.broadcast %broadcast_in_dim3A_233 : vector<1x256xi32> to vector<1024x256xi32>
    %eq3A_235 = arith.cmpi eq, %iota3A, %eq3A_234 : vector<1024x256xi32>
    %jit3A_236 = arith.constant 0x7F800000 : f32
    %broadcast_in_dim3A_237 = vector.broadcast %jit3A_236 : f32 to vector<1024x256xf32>
    %select_n3A_238 = arith.select %eq3A_235, %broadcast_in_dim3A_237, %select_n3A_222 : vector<1024x256xi1>, vector<1024x256xf32>
    %reduce_min3A_239 = arith.constant dense<0x7F800000> : vector<256xf32>
    %reduce_min3A_240 = vector.multi_reduction <minimumf>, %select_n3A_238, %reduce_min3A_239 [0] : vector<1024x256xf32> to vector<256xf32>
    %broadcast_in_dim3A_241 = vector.shape_cast %reduce_min3A_240 : vector<256xf32> to vector<1x256xf32>
    %eq3A_242 = vector.broadcast %broadcast_in_dim3A_241 : vector<1x256xf32> to vector<1024x256xf32>
    %eq3A_243 = arith.cmpf oeq, %select_n3A_238, %eq3A_242 : vector<1024x256xf32>
    %jit3A_244 = arith.constant 1024 : i32
    %broadcast_in_dim3A_245 = vector.broadcast %jit3A_244 : i32 to vector<1024x256xi32>
    %select_n3A_246 = arith.select %eq3A_243, %iota3A, %broadcast_in_dim3A_245 : vector<1024x256xi1>, vector<1024x256xi32>
    %reduce_min3A_247 = arith.constant dense<2147483647> : vector<256xi32>
    %reduce_min3A_248 = vector.multi_reduction <minsi>, %select_n3A_246, %reduce_min3A_247 [0] : vector<1024x256xi32> to vector<256xi32>
    %broadcast_in_dim3A_249 = vector.shape_cast %reduce_min3A_248 : vector<256xi32> to vector<1x256xi32>
    %eq3A_250 = vector.broadcast %broadcast_in_dim3A_249 : vector<1x256xi32> to vector<1024x256xi32>
    %eq3A_251 = arith.cmpi eq, %iota3A, %eq3A_250 : vector<1024x256xi32>
    %jit3A_252 = arith.constant 0x7F800000 : f32
    %broadcast_in_dim3A_253 = vector.broadcast %jit3A_252 : f32 to vector<1024x256xf32>
    %select_n3A_254 = arith.select %eq3A_251, %broadcast_in_dim3A_253, %select_n3A_238 : vector<1024x256xi1>, vector<1024x256xf32>
    %reduce_min3A_255 = arith.constant dense<0x7F800000> : vector<256xf32>
    %reduce_min3A_256 = vector.multi_reduction <minimumf>, %select_n3A_254, %reduce_min3A_255 [0] : vector<1024x256xf32> to vector<256xf32>
    %broadcast_in_dim3A_257 = vector.shape_cast %reduce_min3A_256 : vector<256xf32> to vector<1x256xf32>
    %eq3A_258 = vector.broadcast %broadcast_in_dim3A_257 : vector<1x256xf32> to vector<1024x256xf32>
    %eq3A_259 = arith.cmpf oeq, %select_n3A_254, %eq3A_258 : vector<1024x256xf32>
    %jit3A_260 = arith.constant 1024 : i32
    %broadcast_in_dim3A_261 = vector.broadcast %jit3A_260 : i32 to vector<1024x256xi32>
    %select_n3A_262 = arith.select %eq3A_259, %iota3A, %broadcast_in_dim3A_261 : vector<1024x256xi1>, vector<1024x256xi32>
    %reduce_min3A_263 = arith.constant dense<2147483647> : vector<256xi32>
    %reduce_min3A_264 = vector.multi_reduction <minsi>, %select_n3A_262, %reduce_min3A_263 [0] : vector<1024x256xi32> to vector<256xi32>
    %broadcast_in_dim3A_265 = vector.shape_cast %reduce_min3A_264 : vector<256xi32> to vector<1x256xi32>
    %concatenate3A = tpu.concatenate %broadcast_in_dim3A_25, %broadcast_in_dim3A_41, %broadcast_in_dim3A_57, %broadcast_in_dim3A_73, %broadcast_in_dim3A_89, %broadcast_in_dim3A_105, %broadcast_in_dim3A_121, %broadcast_in_dim3A_137, %broadcast_in_dim3A_153, %broadcast_in_dim3A_169, %broadcast_in_dim3A_185, %broadcast_in_dim3A_201, %broadcast_in_dim3A_217, %broadcast_in_dim3A_233, %broadcast_in_dim3A_249, %broadcast_in_dim3A_265 in 0 : vector<1x256xi32>, vector<1x256xi32>, vector<1x256xi32>, vector<1x256xi32>, vector<1x256xi32>, vector<1x256xi32>, vector<1x256xi32>, vector<1x256xi32>, vector<1x256xi32>, vector<1x256xi32>, vector<1x256xi32>, vector<1x256xi32>, vector<1x256xi32>, vector<1x256xi32>, vector<1x256xi32>, vector<1x256xi32> -> vector<16x256xi32>
    %swap3A = arith.constant 0 : index
    %swap3A_266 = arith.constant 0 : index
    %swap3A_267 = vector.load %arg3[%swap3A, %swap3A_266] : memref<16x256xi32, #tpu.memory_space<vmem>>, vector<16x256xi32>
    tpu.vector_store %arg3[%swap3A, %swap3A_266], %concatenate3A {strides = array<i32>} : memref<16x256xi32, #tpu.memory_space<vmem>>, vector<16x256xi32>,
    return
  }
  func.func @transform_0(%arg0: i32) -> (i32, i32) {
    %c0_i32 = arith.constant 0 : i32
    %c0_i32_0 = arith.constant 0 : i32
    return %c0_i32, %arg0 : i32, i32
  }
  func.func @transform_1(%arg0: i32) -> (i32, i32) {
    %c0_i32 = arith.constant 0 : i32
    %c0_i32_0 = arith.constant 0 : i32
    %c0_i32_1 = arith.constant 0 : i32
    return %c0_i32, %c0_i32_0 : i32, i32
  }
  func.func @transform_2(%arg0: i32) -> (i32, i32) {
    %c0_i32 = arith.constant 0 : i32
    %c0_i32_0 = arith.constant 0 : i32
    return %c0_i32, %arg0 : i32, i32
  }
}

</mosaic_0001>

<sc_bundles>
// kernel: kernel.5.cloned.1.call-start
scs
__scs_entry_jumppad:
0x0: {  	(pc) =	sbr.rel $0x88, $3  }
0x1: {  	(tag) =	ssettag $0x0;
	lr =	simm.s32 $0x1  }
0x2: {  	[smem:$0x3F9F] =	sst lr;
	_ =	strace $0xD0000000  }
0x3: {  	_ = 	snop  }
0x4: {  	_ = 	snop  }
0x5: {  	_ = 	snop  }
0x6: {  	_ = 	snop  }
0x7: {  	_ = 	snop  }
__scs_overlays_trampoline_lowered:
0x8: {  	[smem:$0x3FAE] =	sst s0  }
0x9: {  	[smem:$0x3FAF] =	sst s1  }
0xa: {  	[smem:$0x3FB0] =	sst s2  }
0xb: {  	[smem:$0x3FB1] =	sst s3  }
0xc: {  	[smem:$0x3FB2] =	sst s4  }
0xd: {  	[smem:$0x3FB3] =	sst s5  }
0xe: {  	[smem:$0x3FB4] =	sst s6  }
0xf: {  	[smem:$0x3FB5] =	sst s7  }
0x10: {  	[smem:$0x3FB6] =	sst s8  }
0x11: {  	[smem:$0x3FB7] =	sst s9;
	s0 =	simm.s32 @!p0 $0x0  }
0x12: {  	s1 =	sld [smem:$0x3F9D];
	s0 =	simm.s32 @p0 $0x1  }
0x13: {  	[smem:$0x3FB8] =	sst s0;
	s0 =	simm.s32 @!p1 $0x0  }
0x14: {  	s2 =	sld [smem:$0x3F9C];
	s0 =	simm.s32 @p1 $0x1  }
0x15: {  	[smem:$0x3FB9] =	sst s0;
	s0 =	simm.s32 @!p2 $0x0  }
0x16: {  	s3 =	sld [smem:$0x3FDB];
	s0 =	simm.s32 @p2 $0x1  }
0x17: {  	s4 =	simm.s32 $0x1BF5;
	[smem:$0x3FBB] =	sst s0  }
0x18: {  	s0 =	sld [smem:$0x3F9E];
	_ =	swait.ge [sflag:s4], $0x0  }
0x19: {  	s7 =	sld [smem:$0x3F9F]  }
0x1a: {  	s8 =	sadd.s32 $0xFFFFE003, lr  }
0x1b: {  	s9 =	sadd.s32 $0xFFFFFEF7, lr;
	s5 =	simm.s32 $0xFFFFFFFF;
	p2 =	slt.u32 s8, $0xFFFFF086  }
0x1c: {  	p1 =	slt.u32 s9, $0xF7A;
	s5 =	simm.s32 @!p2 $0x0  }
0x1d: {  	s5 =	simm.s32 @p1 $0x1;
	p0 =	seq.s32 s7, s2  }
0x1e: {  	s7 =	smul.u32 @!p0 $0xF7A, s2;
	p2 =	seq.s32 @!p0 s5, $0x0  }
0x1f: {  	s9 =	smul.u32 $0xF7A, s1;
	s8 =	simm.s32 @!p0 $0x1BF5;
	p2 =	por !p2, p0  }
0x20: {  	[sflag:s8] =	ssyncset.s32 @!p0 $0xFFFFF086;
	s6 =	sadd.s32 @!p0 s3, s7;
	s7 =	simm.s32 @!p0 $0x108  }
0x21: {  	s3 =	sadd.s32 s3, s9;
	s6 =	sadd.s32 @!p0 $0x88, s6;
	s7 =	simm.s32 @p2 $0x1082  }
0x22: {  	[simem:s7], [sflag:s8] =	dma.local @!p0 [hbm:s6], $0xF7A  }
0x23: {  	s9 =	sor.u32 $0xD0000000, s2;
	s6 =	simm.s32 $0x108;
	_ =	swait.ge @!p0 [sflag:s8], $0x0  }
0x24: {  	s3 =	sadd.s32 $0x88, s3;
	s6 =	simm.s32 @!p1 $0x1082;
	[sflag:s4] =	ssyncset.s32 $0xFFFFF086  }
0x25: {  	[simem:s6], [sflag:s4] =	dma.local [hbm:s3], $0xF7A  }
0x26: {  	[smem:$0x3F9F] =	sst s1;
	(tag) =	ssettag s2;
	_ =	strace s9  }
0x27: {  	s1 =	sld [smem:$0x3FAF]  }
0x28: {  	s2 =	sld [smem:$0x3FB0]  }
0x29: {  	s4 =	sld [smem:$0x3FB2]  }
0x2a: {  	p0 =	seq.s32 s5, $0x0;
	s5 =	sld [smem:$0x3FB3]  }
0x2b: {  	s6 =	sld [smem:$0x3FB4]  }
0x2c: {  	s7 =	sld [smem:$0x3FB5]  }
0x2d: {  	s3 =	simm.s32 $0x108;
	s8 =	sld [smem:$0x3FB6]  }
0x2e: {  	s3 =	simm.s32 @!p0 $0x1082;
	s9 =	sld [smem:$0x3FB7]  }
0x2f: {  	lr =	sadd.s32 s0, s3;
	s0 =	sld [smem:$0x3FAE]  }
0x30: {  	s3 =	sld [smem:$0x3FB1]  }
0x31: {  	[smem:$0x3FBA] =	sst s10  }
0x32: {  	s10 =	sld [smem:$0x3FB8];
	_ =	sdelay $0x3  }
0x33: {  	p0 =	seq.s32 s10, $0x1;
	s10 =	sld [smem:$0x3FBA];
	_ =	sdelay $0x3  }
0x34: {  	[smem:$0x3FBA] =	sst s10  }
0x35: {  	s10 =	sld [smem:$0x3FB9];
	_ =	sdelay $0x3  }
0x36: {  	p1 =	seq.s32 s10, $0x1;
	s10 =	sld [smem:$0x3FBA];
	_ =	sdelay $0x3  }
0x37: {  	[smem:$0x3FBA] =	sst s10  }
0x38: {  	s10 =	sld [smem:$0x3FBB]  }
0x39: {  	_ = 	snop;
	(pc) =	sbr.ind lr, $3  }
0x3a: {  	_ = 	snop  }
0x3b: {  	_ = 	snop  }
0x3c: {  	p2 =	seq.s32 s10, $0x1;
	s10 =	sld [smem:$0x3FBA]  }
0x3d: {  	_ =	shalt  }
0x3e: {  	_ =	shalt  }
0x3f: {  	_ =	shalt  }
0x40: {  	_ =	shalt  }
0x41: {  	_ =	shalt  }
0x42: {  	_ =	shalt  }
0x43: {  	_ =	shalt  }
0x44: {  	_ =	shalt  }
0x45: {  	_ =	shalt  }
0x46: {  	_ =	shalt  }
0x47: {  	_ =	shalt  }
0x48: {  	_ =	shalt  }
0x49: {  	_ =	shalt  }
0x4a: {  	_ =	shalt  }
0x4b: {  	_ =	shalt  }
0x4c: {  	_ =	shalt  }
0x4d: {  	_ =	shalt  }
0x4e: {  	_ =	shalt  }
0x4f: {  	_ =	shalt  }
0x50: {  	_ =	shalt  }
0x51: {  	_ =	shalt  }
0x52: {  	_ =	shalt  }
0x53: {  	_ =	shalt  }
0x54: {  	_ =	shalt  }
0x55: {  	_ =	shalt  }
0x56: {  	_ =	shalt  }
0x57: {  	_ =	shalt  }
0x58: {  	_ =	shalt  }
0x59: {  	_ =	shalt  }
0x5a: {  	_ =	shalt  }
0x5b: {  	_ =	shalt  }
0x5c: {  	_ =	shalt  }
0x5d: {  	_ =	shalt  }
0x5e: {  	_ =	shalt  }
0x5f: {  	_ =	shalt  }
0x60: {  	_ =	shalt  }
0x61: {  	_ =	shalt  }
0x62: {  	_ =	shalt  }
0x63: {  	_ =	shalt  }
0x64: {  	_ =	shalt  }
0x65: {  	_ =	shalt  }
0x66: {  	_ =	shalt  }
0x67: {  	_ =	shalt  }
0x68: {  	_ =	shalt  }
0x69: {  	_ =	shalt  }
0x6a: {  	_ =	shalt  }
0x6b: {  	_ =	shalt  }
0x6c: {  	_ =	shalt  }
0x6d: {  	_ =	shalt  }
0x6e: {  	_ =	shalt  }
0x6f: {  	_ =	shalt  }
0x70: {  	_ =	shalt  }
0x71: {  	_ =	shalt  }
0x72: {  	_ =	shalt  }
0x73: {  	_ =	shalt  }
0x74: {  	_ =	shalt  }
0x75: {  	_ =	shalt  }
0x76: {  	_ =	shalt  }
0x77: {  	_ =	shalt  }
0x78: {  	_ =	shalt  }
0x79: {  	_ =	shalt  }
0x7a: {  	_ =	shalt  }
0x7b: {  	_ =	shalt  }
0x7c: {  	_ =	shalt  }
0x7d: {  	_ =	shalt  }
0x7e: {  	_ =	shalt  }
0x7f: {  	_ =	shalt  }
0x80: {  	_ =	shalt  }
0x81: {  	_ =	shalt  }
0x82: {  	_ =	shalt  }
0x83: {  	_ =	shalt  }
0x84: {  	_ =	shalt  }
0x85: {  	_ =	shalt  }
0x86: {  	_ =	shalt  }
0x87: {  	_ =	shalt  }
.Lfunc_end0:
.L_simem_size_0:
called_computation.1_lowered:
.L_overlay_start_0:
0x88: {  	s2 =	sld [smem:$0x3FD9]  }
0x89: {  	s3 =	sld [smem:$0x3FFE];
	_ =	sdelay $0x1  }
0x8a: {  	s1 =	srdreg.scid  }
0x8b: {  	s0 =	sand.u32 $0x1, s1  }
0x8c: {  	s17 =	sshll.u32 s0, $0xA;
	s2 =	sadd.s32 s3, s2  }
0x8d: {  	s2 =	sadd.s32 s2, s17  }
0x8e: {  	[smem:$0x3FC6] =	sst s2  }
0x8f: {  	_ = 	snop  }
0x90: {  	(tm) =	ssettm $0x1  }
0x91: {  	s18 =	sld [smem:$0x3FFB];
	_ =	sdelay $0x3  }
0x92: {  	_ =	strace s18  }
0x93: {  	s2 =	sld [smem:$0x3FFC];
	_ =	sdelay $0x3  }
0x94: {  	_ =	strace s2  }
0x95: {  	s2 =	sld [smem:$0x3FFD];
	_ =	sdelay $0x3  }
0x96: {  	_ =	strace s2  }
0x97: {  	_ =	strace $0x8FFFFFFF  }
0x98: {  	s19 =	sld [smem:$0x3FDB];
	_ =	sdelay $0x1  }
0x99: {  	s20 =	simm.s32 $_scs_section_size  }
0x9a: {  	s4 =	simm.s32 $_size__tile_overlayer_lowered;
	s5 =	simm.s32 $_tile_overlayer_lowered  }
0x9b: {  	s6 =	simm.s32 $0x1BFF;
	s21 =	sshll.u32 s5, $0x1;
	s3 =	sadd.s32 s20, s19  }
0x9c: {  	s22 =	simm.s32 $0x0;
	s4 =	sshll.u32 s4, $0x1;
	s5 =	sadd.s32 s21, s3  }
0x9d: {  	[timem:s22], [sflag:s6] =	dma.local [hbm:s5], s4  }
0x9e: {  	_ =	swait.ge [sflag:s6], s4  }
0x9f: {  	s4 =	ssub.s32 $0x0, s4;
	[sflag:s6] =	ssyncset.done $0x0  }
0xa0: {  	[sflag:s6] =	ssyncadd.s32 s4;
	_ =	sdelay $0x1  }
0xa1: {  	s23 =	simm.s32 $0x1B8B  }
0xa2: {  	_ =	swait.ge [sflag:s23], $0x1  }
0xa3: {  	[sflag:s23] =	ssyncset.done $0x0  }
0xa4: {  	[sflag:s23] =	ssyncadd.s32 $0xFFFFFFFF  }
0xa5: {  	s4 =	sld [smem:$0x0]  }
0xa6: {  	s5 =	sand.u32 $0xFFFFFFFE, s1  }
0xa7: {  	p0 =	sne.s32 s1, s5  }
0xa8: {  	s5 =	sshll.u32 @p0 s5, $0xE  }
0xa9: {  	s5 =	sadd.s32 @p0 $0x11B8D, s5;
	s6 =	sshll.u32 @p0 s4, $0x11  }
0xaa: {  	s5 =	sor.u32 @p0 s6, s5  }
0xab: {  	[sflag:s5] =	ssyncadd.remote.s32 @p0 $0x1;
	_ =	sdelay $0x1  }
0xac: {  	s5 =	simm.s32 @p0 $0x1B8D  }
0xad: {  	_ =	swait.eq @p0 [sflag:s5], $0x1  }
0xae: {  	[sflag:s5] =	ssyncadd.s32 @p0 $0xFFFFFFFF  }
0xaf: {  	s6 =	sshll.u32 @!p0 s1, $0xE  }
0xb0: {  	s6 =	sor.u32 @!p0 $0x4000, s6;
	s5 =	simm.s32 @!p0 $0x1B8D  }
0xb1: {  	s4 =	sshll.u32 @!p0 s4, $0x11;
	s6 =	sadd.s32 @!p0 $0x11B8D, s6;
	_ =	swait.eq @!p0 [sflag:s5], $0x1  }
0xb2: {  	s4 =	sor.u32 @!p0 s4, s6;
	[sflag:s5] =	ssyncadd.s32 @!p0 $0xFFFFFFFF  }
0xb3: {  	s25 =	simm.s32 $0x1B8E;
	s24 =	sld [smem:$0x3FFE];
	[sflag:s4] =	ssyncadd.remote.s32 @!p0 $0x1  }
0xb4: {  	s26 =	simm.s32 $execute0_lowered;
	[smem:$0x3FD2] =	sst s25  }
0xb5: {  	s5 =	sshll.u32 s26, $0x1;
	_ =	strace $0x80000049;
	[dreg:$0x1] =	wrdreg $0xFFFFFFFF  }
0xb6: {  	s28 =	simm.s32 $_size_execute0_lowered;
	s3 =	sadd.s32 s3, s5;
	[dreg:$0x0] =	wrdreg $0x0  }
0xb7: {  	s5 =	sshll.u32 s28, $0x1;
	[dreg:$0x2] =	wrdreg s3  }
0xb8: {  	[dreg:$0x3] =	wrdreg s5  }
0xb9: {  	[dreg:$0x4] =	wrdreg $0xC0  }
0xba: {  	_ =	task [dreg:s22], $0x5FFFF  }
0xbb: {  	[dreg:$0x1] =	wrdreg $0xFFFFFFFF  }
0xbc: {  	[dreg:$0x0] =	wrdreg $0x60  }
0xbd: {  	[dreg:$0x2] =	wrdreg s24  }
0xbe: {  	[dreg:$0x3] =	wrdreg $0x9  }
0xbf: {  	_ =	task.clear_ibuf [dreg:s22], $0x4FFFF;
	_ =	strace $0x90000049  }
0xc0: {  	s29 =	simm.s32 $0x9;
	_ =	strace $0x8000004B  }
0xc1: {  	_ =	swait.ge [sflag:s29], $0x1  }
0xc2: {  	[sflag:s29] =	ssyncadd.s32 $0xFFFFFFFF  }
0xc3: {  	_ =	strace $0x9000004B  }
0xc4: {  	_ =	sfence  }
0xc5: {  	s30 =	sld [smem:$0x0];
	_ =	sdelay $0x2  }
0xc6: {  	s31 =	sshll.u32 s1, $0xD;
	s1 =	sshrl.u32 s1, $0x2  }
0xc7: {  	s4 =	sand.u32 $0x4000, s31;
	s1 =	sadd.s32 s1, s30  }
0xc8: {  	s0 =	sor.u32 s4, s0;
	s1 =	sshll.u32 s1, $0x11  }
0xc9: {  	s0 =	sor.u32 s1, s0  }
0xca: {  	s0 =	sadd.s32 $0x8F2B, s0  }
0xcb: {  	[sflag:s0] =	ssyncadd.remote.s32 $0x1  }
0xcc: {  	_ =	sfence.sel $0xFFFF  }
0xcd: {  	[dreg:$0x0] =	wrdreg $0xFFFFFFFF;
	(pc) =	sbr.abs _section_cstart, $3  }
0xce: {  	[dreg:$0x1] =	wrdreg $0xFFFFFFFF  }
0xcf: {  	_ =	task.clear_ibuf [dreg:s22], $0x2FFFF;
	_ =	strace $0x9FFFFFFF  }
0xd0: {  	(tm) =	ssettm $0x7FFFFFFF  }
0xd1: {  	_ =	shalt  }
tec
execute0_lowered:
.L_overlay_start_1:
0x0: {  	(tag) =	ssettag $0x1  }
0x1: {  	s1 =	srdreg.scid;
	s0 =	stileid.u32  }
0x2: {  	s4 =	rddreg [dreg:$0x0];
	s2 =	simm.s32 $0x0;
	s9 =	simm.s32 $0x4010  }
0x3: {  	s10 =	simm.s32 $0x8010;
	s11 =	simm.s32 $0xC020;
	s12 =	simm.s32 $0x10030  }
0x4: {  	s13 =	simm.s32 $0x14040;
	s14 =	simm.s32 $0x1;
	s15 =	simm.s32 $0x2  }
0x5: {  	s3 =	sand.u32 $0x1, s1;
	s5 =	sshll.u32 s0, $0x1;
	s1 =	rddreg [dreg:$0x1]  }
0x6: {  	s16 =	simm.s32 $0x0;
	[smem:$0x7FF] =	sst s2;
	s5 =	sor.u32 s3, s5  }
0x7: {  	s7 =	ssub.s32 $0x2, s3;
	_ =	strace $0x8000004A;
	s3 =	sadd.s32 $0x21000, s4  }
0x8: {  	s6 =	sshll.u32 s5, $0xB;
	s8 =	sshrl.u32 s7, $0x1;
	s5 =	sshll.u32 s5, $0x4  }
0x9: {  	s6 =	sadd.s32 s6, s4;
	s4 =	sadd.s32 $0x121C00, s4;
	s7 =	ssub.s32 s7, s8  }
0xa: {  	s8 =	simm.s32 $0x3;
	s6 =	sadd.s32 $0x1000, s6;
	s7 =	smax.u32 s7, $0x1  }
.LBB2_1:
0xb: {  	[tilespmem:s2], [sflag:$0x3] =	stream.linear.gather [hbm4b:s3+s2], $0x4010, $0x38;
	[tilespmem:$0x18050] =	vst v63  }
0xc: {  	_ =	swait.ge [sflag:s8], $0x4010  }
0xd: {  	[sflag:s8] =	ssyncset.done $0x0  }
0xe: {  	[sflag:s8] =	ssyncadd.s32 $0xFFFFBFF0  }
0xf: {  	[tilespmem:s9], [sflag:$0x3] =	stream.linear.gather [hbm4b:s6+s2], $0x4000, $0x38;
	[tilespmem:$0x18050] =	vst v63  }
0x10: {  	_ =	swait.ge [sflag:s8], $0x4000  }
0x11: {  	[sflag:s8] =	ssyncset.done $0x0  }
0x12: {  	s17 =	simm.s32 $0x0;
	[sflag:s8] =	ssyncadd.s32 $0xFFFFC000  }
.LBB2_2:
0x13: {  	p0 =	seq.s32 s17, $0x0  }
0x14: {  	s18 =	simm.s32 @!p0 $0x1  }
0x15: {  	_ =	swait.ge @!p0 [sflag:s18], $0x4001  }
0x16: {  	[sflag:s18] =	ssyncset.done @!p0 $0x0  }
0x17: {  	[sflag:s18] =	ssyncadd.s32 @!p0 $0xFFFFBFFF  }
0x18: {  	_ =	swait.ge @!p0 [sflag:s18], $0x4001  }
0x19: {  	[sflag:s18] =	ssyncset.done @!p0 $0x0  }
0x1a: {  	[sflag:s18] =	ssyncadd.s32 @!p0 $0xFFFFBFFF;
	s18 =	simm.s32 $0x0  }
0x1b: {  	v2 =	vld [tilespmem:s18+$0x70]  }
0x1c: {  	v3 =	vld [tilespmem:s18+$0x0]  }
0x1d: {  	v4 =	vld [tilespmem:s18+$0x10]  }
0x1e: {  	s19 =	sshll.u32 s17, $0xC;
	v5 =	vld [tilespmem:s18+$0x20]  }
0x1f: {  	v0 =	vmov s19;
	v6 =	vld [tilespmem:s18+$0x30]  }
0x20: {  	v8 =	vld [tilespmem:s18+$0x40];
	v1 =	vadd.s32 v0, v2  }
0x21: {  	v10 =	vld [tilespmem:s18+$0x50];
	v7 =	vadd.s32 v0, v3  }
0x22: {  	v9 =	vadd.s32 v0, v4  }
0x23: {  	v12 =	vadd.s32 v0, v5  }
0x24: {  	v11 =	vld [tilespmem:s18+$0x60];
	v13 =	vadd.s32 v0, v6  }
0x25: {  	s19 =	sor.u32 $0x400, s19;
	v14 =	vadd.s32 v0, v8;
	v15 =	vld.idx.msk [tilespmem:v1+s9+$0x0], $0xffff  }
0x26: {  	v16 =	vadd.s32 v0, v10;
	v1 =	vmov s19;
	v7 =	vld.idx.msk [tilespmem:v7+s9+$0x0], $0xffff  }
0x27: {  	v17 =	vld.idx.msk [tilespmem:v9+s9+$0x0], $0xffff;
	v2 =	vadd.s32 v1, v2  }
0x28: {  	v12 =	vld.idx.msk [tilespmem:v12+s9+$0x0], $0xffff;
	v4 =	vadd.s32 v1, v4  }
0x29: {  	v18 =	vadd.s32 v0, v11;
	v13 =	vld.idx.msk [tilespmem:v13+s9+$0x0], $0xffff  }
0x2a: {  	v14 =	vld.idx.msk [tilespmem:v14+s9+$0x0], $0xffff;
	v3 =	vadd.s32 v1, v3  }
0x2b: {  	v16 =	vld.idx.msk [tilespmem:v16+s9+$0x0], $0xffff;
	v19 =	vadd.s32 v1, v5;
	[tilespmem:s18+$0x8080] =	vst v15  }
0x2c: {  	v63 =	vadd.s32 v1, v6;
	[tilespmem:s18+$0x8020] =	vst v17;
	v9 =	vld.idx.msk [tilespmem:v2+s9+$0x0], $0xffff  }
0x2d: {  	[tilespmem:s18+$0x8010] =	vst v7;
	v6 =	vld.idx.msk [tilespmem:v4+s9+$0x0], $0xffff;
	v4 =	vadd.s32 v1, v8  }
0x2e: {  	v7 =	vld.idx.msk [tilespmem:v18+s9+$0x0], $0xffff;
	[tilespmem:s18+$0x8030] =	vst v12  }
0x2f: {  	[tilespmem:s18+$0x8040] =	vst v13;
	v5 =	vld.idx.msk [tilespmem:v3+s9+$0x0], $0xffff  }
0x30: {  	[tilespmem:s18+$0x8050] =	vst v14;
	v8 =	vld.idx.msk [tilespmem:v19+s9+$0x0], $0xffff  }
0x31: {  	s20 =	sshll.u32 s17, $0x1;
	s21 =	simm.s32 $0x200;
	s19 =	simm.s32 $0x0;
	[tilespmem:s18+$0x8060] =	vst v16;
	v3 =	vadd.s32 v1, v10;
	v2 =	vadd.s32 v1, v11;
	v10 =	vld.idx.msk [tilespmem:v63+s9+$0x0], $0xffff  }
.LBB2_3:
0x32: {  	s22 =	sshra.s32 s21, $0x2;
	s19 =	sadd.s32 $0x8, s19;
	v4 =	vld.idx.msk [tilespmem:v4+s9+$0x0], $0xffff;
	[tilespmem:s18+$0xC090] =	vst v9  }
0x33: {  	v9 =	vld [tilespmem:s22+$0x70];
	p1 =	slt.u32 s19, $0x3F8;
	[tilespmem:s18+$0x8070] =	vst v7  }
0x34: {  	v7 =	vld [tilespmem:s22+$0x0];
	[tilespmem:s18+$0xC020] =	vst v5  }
0x35: {  	v5 =	vld [tilespmem:s22+$0x10];
	[tilespmem:s18+$0xC030] =	vst v6  }
0x36: {  	v6 =	vld [tilespmem:s22+$0x20];
	[tilespmem:s18+$0xC040] =	vst v8  }
0x37: {  	v8 =	vld [tilespmem:s22+$0x30];
	[tilespmem:s18+$0xC050] =	vst v10  }
0x38: {  	v10 =	vld [tilespmem:s22+$0x40];
	v11 =	vadd.s32 v0, v9;
	[tilespmem:s18+$0xC060] =	vst v4  }
0x39: {  	v12 =	vadd.s32 v0, v7;
	v13 =	vadd.s32 v1, v7;
	v7 =	vld [tilespmem:s22+$0x50]  }
0x3a: {  	v14 =	vadd.s32 v0, v5;
	v15 =	vadd.s32 v1, v5;
	v5 =	vld [tilespmem:s22+$0x60]  }
0x3b: {  	v16 =	vadd.s32 v0, v6;
	v17 =	vadd.s32 v1, v6;
	v6 =	vld.idx.msk [tilespmem:v3+s9+$0x0], $0xffff  }
0x3c: {  	v18 =	vadd.s32 v0, v8;
	v19 =	vadd.s32 v1, v8;
	v8 =	vld.idx.msk [tilespmem:v2+s9+$0x0], $0xffff  }
0x3d: {  	v20 =	vadd.s32 v0, v10;
	v4 =	vadd.s32 v1, v10;
	v10 =	vld.idx.msk [tilespmem:v11+s9+$0x0], $0xffff  }
0x3e: {  	v11 =	vld.idx.msk [tilespmem:v12+s9+$0x0], $0xffff;
	v12 =	vadd.s32 v0, v7;
	v3 =	vadd.s32 v1, v7  }
0x3f: {  	v7 =	vld.idx.msk [tilespmem:v14+s9+$0x0], $0xffff;
	v14 =	vadd.s32 v0, v5;
	v2 =	vadd.s32 v1, v5;
	v5 =	vadd.s32 v1, v9  }
0x40: {  	v16 =	vld.idx.msk [tilespmem:v16+s9+$0x0], $0xffff  }
0x41: {  	v18 =	vld.idx.msk [tilespmem:v18+s9+$0x0], $0xffff;
	[tilespmem:s18+$0xC070] =	vst v6  }
0x42: {  	v20 =	vld.idx.msk [tilespmem:v20+s9+$0x0], $0xffff;
	[tilespmem:s18+$0xC080] =	vst v8;
	s18 =	smov.u32 s22  }
0x43: {  	v12 =	vld.idx.msk [tilespmem:v12+s9+$0x0], $0xffff;
	[tilespmem:s18+$0x8080] =	vst v10  }
0x44: {  	[tilespmem:s18+$0x8010] =	vst v11;
	v9 =	vld.idx.msk [tilespmem:v5+s9+$0x0], $0xffff  }
.Ltmp0:
0x45: {  	[tilespmem:s18+$0x8020] =	vst v7;
	v7 =	vld.idx.msk [tilespmem:v14+s9+$0x0], $0xffff;
	(pc) =	sbr.rel @p1 .LBB2_3-.Ltmp0, $4  }
0x46: {  	v5 =	vld.idx.msk [tilespmem:v13+s9+$0x0], $0xffff;
	[tilespmem:s18+$0x8030] =	vst v16  }
0x47: {  	v6 =	vld.idx.msk [tilespmem:v15+s9+$0x0], $0xffff;
	[tilespmem:s18+$0x8040] =	vst v18  }
0x48: {  	v8 =	vld.idx.msk [tilespmem:v17+s9+$0x0], $0xffff;
	[tilespmem:s18+$0x8050] =	vst v20  }
0x49: {  	s21 =	sadd.s32 $0x200, s21;
	v10 =	vld.idx.msk [tilespmem:v19+s9+$0x0], $0xffff;
	[tilespmem:s18+$0x8060] =	vst v12  }
0x4a: {  	_ =	sdelay $0x2  }
0x4b: {  	[tilespmem:s18+$0xC090] =	vst v9  }
0x4c: {  	v4 =	vld.idx.msk [tilespmem:v4+s9+$0x0], $0xffff;
	[tilespmem:s18+$0x8070] =	vst v7  }
0x4d: {  	v3 =	vld.idx.msk [tilespmem:v3+s9+$0x0], $0xffff;
	[tilespmem:s18+$0xC020] =	vst v5  }
0x4e: {  	v2 =	vld.idx.msk [tilespmem:v2+s9+$0x0], $0xffff;
	[tilespmem:s18+$0xC030] =	vst v6  }
0x4f: {  	[tilespmem:s18+$0xC040] =	vst v8  }
0x50: {  	[tilespmem:s18+$0xC050] =	vst v10  }
0x51: {  	[tilespmem:s18+$0xC060] =	vst v4  }
0x52: {  	[tilespmem:s18+$0xC070] =	vst v3  }
0x53: {  	[tilespmem:s18+$0xC080] =	vst v2  }
0x54: {  	v2 =	vld [tilespmem:$0x4000];
	_ =	sdelay $0x4  }
0x55: {  	v0 =	vadd.s32 v0, v2;
	_ =	sdelay $0x4  }
0x56: {  	v0 =	vld.idx.msk [tilespmem:v0+s9+$0x0], $0xffff  }
0x57: {  	v1 =	vadd.s32 v1, v2;
	_ =	sdelay $0x3  }
0x58: {  	s31 =	sshll.u32 s17, $0x2;
	[tilespmem:$0xC010] =	vst v0  }
0x59: {  	s18 =	sadd.s32 s5, s31;
	v0 =	vld.idx.msk [tilespmem:v1+s9+$0x0], $0xffff  }
0x5a: {  	s19 =	smul.u32 $0x801, s18  }
0x5b: {  	s18 =	smul.u32 $0x4008, s18;
	_ =	sdelay $0x1  }
0x5c: {  	s18 =	sadd.s32 $0x4008, s18  }
0x5d: {  	s19 =	sadd.s32 s4, s19;
	s18 =	sshrl.u32 s18, $0x3;
	[tilespmem:$0x10020] =	vst v0  }
0x5e: {  	[hbm4b:s19+s2] =	stream.linear.scatter [tilespmem:s10], [sflag:$0x1], $0x4001, $0x38;
	[tilespmem:$0x18050] =	vst v63  }
0x5f: {  	s18 =	sadd.s32 s4, s18  }
0x60: {  	[hbm4b:s18+s2] =	stream.linear.scatter [tilespmem:s11], [sflag:$0x1], $0x4001, $0x38;
	[tilespmem:$0x18050] =	vst v63  }
0x61: {  	s18 =	simm.s32 @!p0 $0x2  }
0x62: {  	_ =	swait.ge @!p0 [sflag:s18], $0x4001  }
0x63: {  	[sflag:s18] =	ssyncset.done @!p0 $0x0  }
0x64: {  	[sflag:s18] =	ssyncadd.s32 @!p0 $0xFFFFBFFF  }
0x65: {  	_ =	swait.ge @!p0 [sflag:s18], $0x4001  }
0x66: {  	[sflag:s18] =	ssyncset.done @!p0 $0x0  }
0x67: {  	s19 =	simm.s32 $0x0;
	[sflag:s18] =	ssyncadd.s32 @!p0 $0xFFFFBFFF  }
0x68: {  	v2 =	vld [tilespmem:s19+$0x70]  }
0x69: {  	v3 =	vld [tilespmem:s19+$0x0]  }
0x6a: {  	s18 =	sor.u32 $0x1, s20;
	v4 =	vld [tilespmem:s19+$0x10]  }
0x6b: {  	s20 =	sshll.u32 s18, $0xB;
	v5 =	vld [tilespmem:s19+$0x20]  }
0x6c: {  	v6 =	vld [tilespmem:s19+$0x30];
	v0 =	vmov s20  }
0x6d: {  	v8 =	vld [tilespmem:s19+$0x40];
	v1 =	vadd.s32 v0, v2  }
0x6e: {  	v10 =	vld [tilespmem:s19+$0x50];
	v7 =	vadd.s32 v0, v3  }
0x6f: {  	v9 =	vadd.s32 v0, v4  }
0x70: {  	v12 =	vadd.s32 v0, v5  }
0x71: {  	v11 =	vld [tilespmem:s19+$0x60];
	v13 =	vadd.s32 v0, v6  }
0x72: {  	s20 =	sor.u32 $0x400, s20;
	v14 =	vadd.s32 v0, v8;
	v15 =	vld.idx.msk [tilespmem:v1+s9+$0x0], $0xffff  }
0x73: {  	v16 =	vadd.s32 v0, v10;
	v1 =	vmov s20;
	v7 =	vld.idx.msk [tilespmem:v7+s9+$0x0], $0xffff  }
0x74: {  	v17 =	vld.idx.msk [tilespmem:v9+s9+$0x0], $0xffff;
	v2 =	vadd.s32 v1, v2  }
0x75: {  	v12 =	vld.idx.msk [tilespmem:v12+s9+$0x0], $0xffff;
	v4 =	vadd.s32 v1, v4  }
0x76: {  	v18 =	vadd.s32 v0, v11;
	v13 =	vld.idx.msk [tilespmem:v13+s9+$0x0], $0xffff  }
0x77: {  	v14 =	vld.idx.msk [tilespmem:v14+s9+$0x0], $0xffff;
	v3 =	vadd.s32 v1, v3  }
0x78: {  	v16 =	vld.idx.msk [tilespmem:v16+s9+$0x0], $0xffff;
	v19 =	vadd.s32 v1, v5;
	[tilespmem:s19+$0x100A0] =	vst v15  }
0x79: {  	v63 =	vadd.s32 v1, v6;
	[tilespmem:s19+$0x10040] =	vst v17;
	v9 =	vld.idx.msk [tilespmem:v2+s9+$0x0], $0xffff  }
0x7a: {  	[tilespmem:s19+$0x10030] =	vst v7;
	v6 =	vld.idx.msk [tilespmem:v4+s9+$0x0], $0xffff;
	v4 =	vadd.s32 v1, v8  }
0x7b: {  	v7 =	vld.idx.msk [tilespmem:v18+s9+$0x0], $0xffff;
	[tilespmem:s19+$0x10050] =	vst v12  }
0x7c: {  	[tilespmem:s19+$0x10060] =	vst v13;
	v5 =	vld.idx.msk [tilespmem:v3+s9+$0x0], $0xffff  }
0x7d: {  	[tilespmem:s19+$0x10070] =	vst v14;
	v8 =	vld.idx.msk [tilespmem:v19+s9+$0x0], $0xffff  }
0x7e: {  	s21 =	simm.s32 $0x200;
	s20 =	simm.s32 $0x0;
	[tilespmem:s19+$0x10080] =	vst v16;
	v3 =	vadd.s32 v1, v10;
	v2 =	vadd.s32 v1, v11;
	v10 =	vld.idx.msk [tilespmem:v63+s9+$0x0], $0xffff  }
.LBB2_5:
0x7f: {  	s22 =	sshra.s32 s21, $0x2;
	s20 =	sadd.s32 $0x8, s20;
	v4 =	vld.idx.msk [tilespmem:v4+s9+$0x0], $0xffff;
	[tilespmem:s19+$0x140B0] =	vst v9  }
0x80: {  	v9 =	vld [tilespmem:s22+$0x70];
	p0 =	slt.u32 s20, $0x3F8;
	[tilespmem:s19+$0x10090] =	vst v7  }
0x81: {  	v7 =	vld [tilespmem:s22+$0x0];
	[tilespmem:s19+$0x14040] =	vst v5  }
0x82: {  	v5 =	vld [tilespmem:s22+$0x10];
	[tilespmem:s19+$0x14050] =	vst v6  }
0x83: {  	v6 =	vld [tilespmem:s22+$0x20];
	[tilespmem:s19+$0x14060] =	vst v8  }
0x84: {  	v8 =	vld [tilespmem:s22+$0x30];
	[tilespmem:s19+$0x14070] =	vst v10  }
0x85: {  	v10 =	vld [tilespmem:s22+$0x40];
	v11 =	vadd.s32 v0, v9;
	[tilespmem:s19+$0x14080] =	vst v4  }
0x86: {  	v12 =	vadd.s32 v0, v7;
	v13 =	vadd.s32 v1, v7;
	v7 =	vld [tilespmem:s22+$0x50]  }
0x87: {  	v14 =	vadd.s32 v0, v5;
	v15 =	vadd.s32 v1, v5;
	v5 =	vld [tilespmem:s22+$0x60]  }
0x88: {  	v16 =	vadd.s32 v0, v6;
	v17 =	vadd.s32 v1, v6;
	v6 =	vld.idx.msk [tilespmem:v3+s9+$0x0], $0xffff  }
0x89: {  	v18 =	vadd.s32 v0, v8;
	v19 =	vadd.s32 v1, v8;
	v8 =	vld.idx.msk [tilespmem:v2+s9+$0x0], $0xffff  }
0x8a: {  	v20 =	vadd.s32 v0, v10;
	v4 =	vadd.s32 v1, v10;
	v10 =	vld.idx.msk [tilespmem:v11+s9+$0x0], $0xffff  }
0x8b: {  	v11 =	vld.idx.msk [tilespmem:v12+s9+$0x0], $0xffff;
	v12 =	vadd.s32 v0, v7;
	v3 =	vadd.s32 v1, v7  }
0x8c: {  	v7 =	vld.idx.msk [tilespmem:v14+s9+$0x0], $0xffff;
	v14 =	vadd.s32 v0, v5;
	v2 =	vadd.s32 v1, v5;
	v5 =	vadd.s32 v1, v9  }
0x8d: {  	v16 =	vld.idx.msk [tilespmem:v16+s9+$0x0], $0xffff  }
0x8e: {  	v18 =	vld.idx.msk [tilespmem:v18+s9+$0x0], $0xffff;
	[tilespmem:s19+$0x14090] =	vst v6  }
0x8f: {  	v20 =	vld.idx.msk [tilespmem:v20+s9+$0x0], $0xffff;
	[tilespmem:s19+$0x140A0] =	vst v8;
	s19 =	smov.u32 s22  }
0x90: {  	v12 =	vld.idx.msk [tilespmem:v12+s9+$0x0], $0xffff;
	[tilespmem:s19+$0x100A0] =	vst v10  }
0x91: {  	[tilespmem:s19+$0x10030] =	vst v11;
	v9 =	vld.idx.msk [tilespmem:v5+s9+$0x0], $0xffff  }
.Ltmp1:
0x92: {  	[tilespmem:s19+$0x10040] =	vst v7;
	v7 =	vld.idx.msk [tilespmem:v14+s9+$0x0], $0xffff;
	(pc) =	sbr.rel @p0 .LBB2_5-.Ltmp1, $4  }
0x93: {  	v5 =	vld.idx.msk [tilespmem:v13+s9+$0x0], $0xffff;
	[tilespmem:s19+$0x10050] =	vst v16  }
0x94: {  	v6 =	vld.idx.msk [tilespmem:v15+s9+$0x0], $0xffff;
	[tilespmem:s19+$0x10060] =	vst v18  }
0x95: {  	v8 =	vld.idx.msk [tilespmem:v17+s9+$0x0], $0xffff;
	[tilespmem:s19+$0x10070] =	vst v20  }
0x96: {  	s21 =	sadd.s32 $0x200, s21;
	v10 =	vld.idx.msk [tilespmem:v19+s9+$0x0], $0xffff;
	[tilespmem:s19+$0x10080] =	vst v12  }
0x97: {  	_ =	sdelay $0x2  }
0x98: {  	[tilespmem:s19+$0x140B0] =	vst v9  }
0x99: {  	v4 =	vld.idx.msk [tilespmem:v4+s9+$0x0], $0xffff;
	[tilespmem:s19+$0x10090] =	vst v7  }
0x9a: {  	v3 =	vld.idx.msk [tilespmem:v3+s9+$0x0], $0xffff;
	[tilespmem:s19+$0x14040] =	vst v5  }
0x9b: {  	v2 =	vld.idx.msk [tilespmem:v2+s9+$0x0], $0xffff;
	[tilespmem:s19+$0x14050] =	vst v6  }
0x9c: {  	[tilespmem:s19+$0x14060] =	vst v8  }
0x9d: {  	[tilespmem:s19+$0x14070] =	vst v10  }
0x9e: {  	[tilespmem:s19+$0x14080] =	vst v4  }
0x9f: {  	[tilespmem:s19+$0x14090] =	vst v3  }
0xa0: {  	[tilespmem:s19+$0x140A0] =	vst v2  }
0xa1: {  	v2 =	vld [tilespmem:$0x4000];
	_ =	sdelay $0x4  }
0xa2: {  	v0 =	vadd.s32 v0, v2;
	_ =	sdelay $0x4  }
0xa3: {  	v0 =	vld.idx.msk [tilespmem:v0+s9+$0x0], $0xffff  }
0xa4: {  	v1 =	vadd.s32 v1, v2;
	_ =	sdelay $0x3  }
0xa5: {  	s18 =	sshll.u32 s18, $0x1;
	[tilespmem:$0x14030] =	vst v0  }
0xa6: {  	s18 =	sadd.s32 s5, s18;
	v0 =	vld.idx.msk [tilespmem:v1+s9+$0x0], $0xffff  }
0xa7: {  	s31 =	smul.u32 $0x801, s18  }
0xa8: {  	s17 =	sadd.s32 $0x1, s17;
	s18 =	smul.u32 $0x4008, s18  }
0xa9: {  	p0 =	sne.s32 s17, $0x4  }
.Ltmp2:
0xaa: {  	s18 =	sadd.s32 $0x4008, s18;
	(pc) =	sbr.rel @p0 .LBB2_2-.Ltmp2, $4  }
0xab: {  	s18 =	sshrl.u32 s18, $0x3;
	s19 =	sadd.s32 s4, s31;
	[tilespmem:$0x18040] =	vst v0  }
0xac: {  	[hbm4b:s19+s2] =	stream.linear.scatter [tilespmem:s12], [sflag:$0x2], $0x4001, $0x38;
	[tilespmem:$0x18050] =	vst v63  }
0xad: {  	s18 =	sadd.s32 s4, s18  }
0xae: {  	[hbm4b:s18+s2] =	stream.linear.scatter [tilespmem:s13], [sflag:$0x2], $0x4001, $0x38;
	[tilespmem:$0x18050] =	vst v63  }
0xaf: {  	_ =	swait.ge [sflag:s14], $0x4001  }
0xb0: {  	[sflag:s14] =	ssyncset.done $0x0  }
0xb1: {  	[sflag:s14] =	ssyncadd.s32 $0xFFFFBFFF  }
0xb2: {  	_ =	swait.ge [sflag:s14], $0x4001  }
0xb3: {  	[sflag:s14] =	ssyncset.done $0x0  }
0xb4: {  	s16 =	sadd.s32 $0x1, s16;
	[sflag:s14] =	ssyncadd.s32 $0xFFFFBFFF  }
0xb5: {  	p0 =	sne.s32 s16, s7;
	_ =	swait.ge [sflag:s15], $0x4001  }
.Ltmp3:
0xb6: {  	[sflag:s15] =	ssyncset.done $0x0;
	(pc) =	sbr.rel @p0 .LBB2_1-.Ltmp3, $4  }
0xb7: {  	[sflag:s15] =	ssyncadd.s32 $0xFFFFBFFF  }
0xb8: {  	_ =	swait.ge [sflag:s15], $0x4001  }
0xb9: {  	[sflag:s15] =	ssyncset.done $0x0  }
0xba: {  	[sflag:s15] =	ssyncadd.s32 $0xFFFFBFFF  }
0xbb: {  	_ =	sfence.sel $0x180000  }
0xbc: {  	[bflag:$0x0] =	sbarrier.arrive $0xFFFF  }
0xbd: {  	p0 =	sne.s32 s0, $0x0;
	_ =	strace $0x9000004A  }
0xbe: {  	s0 =	sadd.s32 @!p0 $0x100000, s1;
	[bflag:$0x2] =	sbarrier.arrive $0xFFFF  }
0xbf: {  	[sflag:s0] =	ssyncadd.tile.s32 @!p0 $0x1;
	_ =	shalt  }
.Lfunc_end2:
_tile_overlayer_lowered:
.L_overlay_start_2:
0xc0: {  	(tag) =	ssettag $0x2  }
0xc1: {  	s0 =	rddreg [dreg:$0x0];
	s2 =	stileid.u32  }
0xc2: {  	s1 =	rddreg [dreg:$0x1];
	p0 =	sne.s32 s2, $0x0  }
0xc3: {  	s3 =	rddreg [dreg:$0x2];
	[bflag:$0x3] =	sbarrier.arrive $0xFFFF;
	s2 =	simm.s32 @!p0 $0x1C03  }
0xc4: {  	[timem:s3], [sflag:s2] =	dma.local @!p0 [hbm:s0], s1  }
0xc5: {  	s0 =	simm.s32 @!p0 $0x3  }
0xc6: {  	_ =	swait.ge @!p0 [sflag:s0], s1  }
0xc7: {  	s1 =	ssub.s32 @!p0 $0x0, s1;
	[sflag:s0] =	ssyncset.done @!p0 $0x0  }
0xc8: {  	[sflag:s0] =	ssyncadd.s32 @!p0 s1  }
0xc9: {  	[bflag:$0x3] =	sbarrier.arrive $0xFFFF  }
0xca: {  	_ =	shalt  }

// kernel: kernel.8.cloned.1.call-start
scs
__scs_entry_jumppad:
0x0: {  	(pc) =	sbr.rel $0x88, $3  }
0x1: {  	(tag) =	ssettag $0x0;
	lr =	simm.s32 $0x1  }
0x2: {  	[smem:$0x3F9F] =	sst lr;
	_ =	strace $0xD0000000  }
0x3: {  	_ = 	snop  }
0x4: {  	_ = 	snop  }
0x5: {  	_ = 	snop  }
0x6: {  	_ = 	snop  }
0x7: {  	_ = 	snop  }
__scs_overlays_trampoline_lowered:
0x8: {  	[smem:$0x3FAE] =	sst s0  }
0x9: {  	[smem:$0x3FAF] =	sst s1  }
0xa: {  	[smem:$0x3FB0] =	sst s2  }
0xb: {  	[smem:$0x3FB1] =	sst s3  }
0xc: {  	[smem:$0x3FB2] =	sst s4  }
0xd: {  	[smem:$0x3FB3] =	sst s5  }
0xe: {  	[smem:$0x3FB4] =	sst s6  }
0xf: {  	[smem:$0x3FB5] =	sst s7  }
0x10: {  	[smem:$0x3FB6] =	sst s8  }
0x11: {  	[smem:$0x3FB7] =	sst s9;
	s0 =	simm.s32 @!p0 $0x0  }
0x12: {  	s1 =	sld [smem:$0x3F9D];
	s0 =	simm.s32 @p0 $0x1  }
0x13: {  	[smem:$0x3FB8] =	sst s0;
	s0 =	simm.s32 @!p1 $0x0  }
0x14: {  	s2 =	sld [smem:$0x3F9C];
	s0 =	simm.s32 @p1 $0x1  }
0x15: {  	[smem:$0x3FB9] =	sst s0;
	s0 =	simm.s32 @!p2 $0x0  }
0x16: {  	s3 =	sld [smem:$0x3FDB];
	s0 =	simm.s32 @p2 $0x1  }
0x17: {  	s4 =	simm.s32 $0x1BF5;
	[smem:$0x3FBB] =	sst s0  }
0x18: {  	s0 =	sld [smem:$0x3F9E];
	_ =	swait.ge [sflag:s4], $0x0  }
0x19: {  	s7 =	sld [smem:$0x3F9F]  }
0x1a: {  	s8 =	sadd.s32 $0xFFFFE003, lr  }
0x1b: {  	s9 =	sadd.s32 $0xFFFFFEF7, lr;
	s5 =	simm.s32 $0xFFFFFFFF;
	p2 =	slt.u32 s8, $0xFFFFF086  }
0x1c: {  	p1 =	slt.u32 s9, $0xF7A;
	s5 =	simm.s32 @!p2 $0x0  }
0x1d: {  	s5 =	simm.s32 @p1 $0x1;
	p0 =	seq.s32 s7, s2  }
0x1e: {  	s7 =	smul.u32 @!p0 $0xF7A, s2;
	p2 =	seq.s32 @!p0 s5, $0x0  }
0x1f: {  	s9 =	smul.u32 $0xF7A, s1;
	s8 =	simm.s32 @!p0 $0x1BF5;
	p2 =	por !p2, p0  }
0x20: {  	[sflag:s8] =	ssyncset.s32 @!p0 $0xFFFFF086;
	s6 =	sadd.s32 @!p0 s3, s7;
	s7 =	simm.s32 @!p0 $0x108  }
0x21: {  	s3 =	sadd.s32 s3, s9;
	s6 =	sadd.s32 @!p0 $0x88, s6;
	s7 =	simm.s32 @p2 $0x1082  }
0x22: {  	[simem:s7], [sflag:s8] =	dma.local @!p0 [hbm:s6], $0xF7A  }
0x23: {  	s9 =	sor.u32 $0xD0000000, s2;
	s6 =	simm.s32 $0x108;
	_ =	swait.ge @!p0 [sflag:s8], $0x0  }
0x24: {  	s3 =	sadd.s32 $0x88, s3;
	s6 =	simm.s32 @!p1 $0x1082;
	[sflag:s4] =	ssyncset.s32 $0xFFFFF086  }
0x25: {  	[simem:s6], [sflag:s4] =	dma.local [hbm:s3], $0xF7A  }
0x26: {  	[smem:$0x3F9F] =	sst s1;
	(tag) =	ssettag s2;
	_ =	strace s9  }
0x27: {  	s1 =	sld [smem:$0x3FAF]  }
0x28: {  	s2 =	sld [smem:$0x3FB0]  }
0x29: {  	s4 =	sld [smem:$0x3FB2]  }
0x2a: {  	p0 =	seq.s32 s5, $0x0;
	s5 =	sld [smem:$0x3FB3]  }
0x2b: {  	s6 =	sld [smem:$0x3FB4]  }
0x2c: {  	s7 =	sld [smem:$0x3FB5]  }
0x2d: {  	s3 =	simm.s32 $0x108;
	s8 =	sld [smem:$0x3FB6]  }
0x2e: {  	s3 =	simm.s32 @!p0 $0x1082;
	s9 =	sld [smem:$0x3FB7]  }
0x2f: {  	lr =	sadd.s32 s0, s3;
	s0 =	sld [smem:$0x3FAE]  }
0x30: {  	s3 =	sld [smem:$0x3FB1]  }
0x31: {  	[smem:$0x3FBA] =	sst s10  }
0x32: {  	s10 =	sld [smem:$0x3FB8];
	_ =	sdelay $0x3  }
0x33: {  	p0 =	seq.s32 s10, $0x1;
	s10 =	sld [smem:$0x3FBA];
	_ =	sdelay $0x3  }
0x34: {  	[smem:$0x3FBA] =	sst s10  }
0x35: {  	s10 =	sld [smem:$0x3FB9];
	_ =	sdelay $0x3  }
0x36: {  	p1 =	seq.s32 s10, $0x1;
	s10 =	sld [smem:$0x3FBA];
	_ =	sdelay $0x3  }
0x37: {  	[smem:$0x3FBA] =	sst s10  }
0x38: {  	s10 =	sld [smem:$0x3FBB]  }
0x39: {  	_ = 	snop;
	(pc) =	sbr.ind lr, $3  }
0x3a: {  	_ = 	snop  }
0x3b: {  	_ = 	snop  }
0x3c: {  	p2 =	seq.s32 s10, $0x1;
	s10 =	sld [smem:$0x3FBA]  }
0x3d: {  	_ =	shalt  }
0x3e: {  	_ =	shalt  }
0x3f: {  	_ =	shalt  }
0x40: {  	_ =	shalt  }
0x41: {  	_ =	shalt  }
0x42: {  	_ =	shalt  }
0x43: {  	_ =	shalt  }
0x44: {  	_ =	shalt  }
0x45: {  	_ =	shalt  }
0x46: {  	_ =	shalt  }
0x47: {  	_ =	shalt  }
0x48: {  	_ =	shalt  }
0x49: {  	_ =	shalt  }
0x4a: {  	_ =	shalt  }
0x4b: {  	_ =	shalt  }
0x4c: {  	_ =	shalt  }
0x4d: {  	_ =	shalt  }
0x4e: {  	_ =	shalt  }
0x4f: {  	_ =	shalt  }
0x50: {  	_ =	shalt  }
0x51: {  	_ =	shalt  }
0x52: {  	_ =	shalt  }
0x53: {  	_ =	shalt  }
0x54: {  	_ =	shalt  }
0x55: {  	_ =	shalt  }
0x56: {  	_ =	shalt  }
0x57: {  	_ =	shalt  }
0x58: {  	_ =	shalt  }
0x59: {  	_ =	shalt  }
0x5a: {  	_ =	shalt  }
0x5b: {  	_ =	shalt  }
0x5c: {  	_ =	shalt  }
0x5d: {  	_ =	shalt  }
0x5e: {  	_ =	shalt  }
0x5f: {  	_ =	shalt  }
0x60: {  	_ =	shalt  }
0x61: {  	_ =	shalt  }
0x62: {  	_ =	shalt  }
0x63: {  	_ =	shalt  }
0x64: {  	_ =	shalt  }
0x65: {  	_ =	shalt  }
0x66: {  	_ =	shalt  }
0x67: {  	_ =	shalt  }
0x68: {  	_ =	shalt  }
0x69: {  	_ =	shalt  }
0x6a: {  	_ =	shalt  }
0x6b: {  	_ =	shalt  }
0x6c: {  	_ =	shalt  }
0x6d: {  	_ =	shalt  }
0x6e: {  	_ =	shalt  }
0x6f: {  	_ =	shalt  }
0x70: {  	_ =	shalt  }
0x71: {  	_ =	shalt  }
0x72: {  	_ =	shalt  }
0x73: {  	_ =	shalt  }
0x74: {  	_ =	shalt  }
0x75: {  	_ =	shalt  }
0x76: {  	_ =	shalt  }
0x77: {  	_ =	shalt  }
0x78: {  	_ =	shalt  }
0x79: {  	_ =	shalt  }
0x7a: {  	_ =	shalt  }
0x7b: {  	_ =	shalt  }
0x7c: {  	_ =	shalt  }
0x7d: {  	_ =	shalt  }
0x7e: {  	_ =	shalt  }
0x7f: {  	_ =	shalt  }
0x80: {  	_ =	shalt  }
0x81: {  	_ =	shalt  }
0x82: {  	_ =	shalt  }
0x83: {  	_ =	shalt  }
0x84: {  	_ =	shalt  }
0x85: {  	_ =	shalt  }
0x86: {  	_ =	shalt  }
0x87: {  	_ =	shalt  }
.Lfunc_end0:
.L_simem_size_0:
called_computation.2_lowered:
.L_overlay_start_0:
0x88: {  	s2 =	sld [smem:$0x3FD9]  }
0x89: {  	s3 =	sld [smem:$0x3FFE];
	_ =	sdelay $0x1  }
0x8a: {  	s1 =	srdreg.scid  }
0x8b: {  	s0 =	sand.u32 $0x1, s1  }
0x8c: {  	s16 =	sshll.u32 s0, $0xA;
	s2 =	sadd.s32 s3, s2  }
0x8d: {  	s2 =	sadd.s32 s2, s16  }
0x8e: {  	[smem:$0x3FC6] =	sst s2  }
0x8f: {  	_ = 	snop  }
0x90: {  	(tm) =	ssettm $0x1  }
0x91: {  	s17 =	sld [smem:$0x3FFB];
	_ =	sdelay $0x3  }
0x92: {  	_ =	strace s17  }
0x93: {  	s2 =	sld [smem:$0x3FFC];
	_ =	sdelay $0x3  }
0x94: {  	_ =	strace s2  }
0x95: {  	s2 =	sld [smem:$0x3FFD];
	_ =	sdelay $0x3  }
0x96: {  	_ =	strace s2  }
0x97: {  	_ =	strace $0x8FFFFFFF  }
0x98: {  	s18 =	sld [smem:$0x3FDB];
	_ =	sdelay $0x1  }
0x99: {  	s19 =	simm.s32 $_scs_section_size  }
0x9a: {  	s4 =	simm.s32 $_size__tile_overlayer_lowered;
	s5 =	simm.s32 $_tile_overlayer_lowered  }
0x9b: {  	s22 =	simm.s32 $0x1BFF;
	s21 =	sshll.u32 s5, $0x1;
	s2 =	sadd.s32 s19, s18  }
0x9c: {  	s6 =	simm.s32 $0x0;
	s20 =	sshll.u32 s4, $0x1;
	s4 =	sadd.s32 s21, s2  }
0x9d: {  	[timem:s6], [sflag:s22] =	dma.local [hbm:s4], s20  }
0x9e: {  	_ =	swait.ge [sflag:s22], s20  }
0x9f: {  	s3 =	ssub.s32 $0x0, s20;
	[sflag:s22] =	ssyncset.done $0x0  }
0xa0: {  	[sflag:s22] =	ssyncadd.s32 s3;
	_ =	sdelay $0x1  }
0xa1: {  	s23 =	simm.s32 $0x1B8B  }
0xa2: {  	_ =	swait.ge [sflag:s23], $0x1  }
0xa3: {  	[sflag:s23] =	ssyncset.done $0x0  }
0xa4: {  	s25 =	simm.s32 $0x1B8E;
	s24 =	sld [smem:$0x3FFE];
	[sflag:s23] =	ssyncadd.s32 $0xFFFFFFFF  }
0xa5: {  	s26 =	simm.s32 $execute0_lowered;
	[smem:$0x3FD2] =	sst s25  }
0xa6: {  	s4 =	sshll.u32 s26, $0x1;
	_ =	strace $0x80000046;
	[dreg:$0x1] =	wrdreg $0xFFFFFFFF  }
0xa7: {  	s28 =	simm.s32 $_size_execute0_lowered;
	s2 =	sadd.s32 s2, s4;
	[dreg:$0x0] =	wrdreg $0x0  }
0xa8: {  	s4 =	sshll.u32 s28, $0x1;
	[dreg:$0x2] =	wrdreg s2  }
0xa9: {  	[dreg:$0x3] =	wrdreg s4  }
0xaa: {  	[dreg:$0x4] =	wrdreg $0xC0  }
0xab: {  	_ =	task [dreg:s6], $0x5FFFF  }
0xac: {  	[dreg:$0x1] =	wrdreg $0xFFFFFFFF  }
0xad: {  	[dreg:$0x0] =	wrdreg $0x60  }
0xae: {  	[dreg:$0x2] =	wrdreg s24  }
0xaf: {  	[dreg:$0x3] =	wrdreg $0xA  }
0xb0: {  	_ =	task.clear_ibuf [dreg:s6], $0x4FFFF;
	_ =	strace $0x90000046  }
0xb1: {  	s29 =	simm.s32 $0xA;
	_ =	strace $0x80000048  }
0xb2: {  	_ =	swait.ge [sflag:s29], $0x1  }
0xb3: {  	[sflag:s29] =	ssyncadd.s32 $0xFFFFFFFF  }
0xb4: {  	_ =	strace $0x90000048  }
0xb5: {  	_ =	sfence  }
0xb6: {  	s30 =	sld [smem:$0x0];
	_ =	sdelay $0x2  }
0xb7: {  	s31 =	sshll.u32 s1, $0xD;
	s1 =	sshrl.u32 s1, $0x2  }
0xb8: {  	s3 =	sand.u32 $0x4000, s31;
	s1 =	sadd.s32 s1, s30  }
0xb9: {  	s0 =	sor.u32 s3, s0;
	s1 =	sshll.u32 s1, $0x11  }
0xba: {  	s0 =	sor.u32 s1, s0  }
0xbb: {  	s0 =	sadd.s32 $0x8F2B, s0  }
0xbc: {  	[sflag:s0] =	ssyncadd.remote.s32 $0x1  }
0xbd: {  	_ =	sfence.sel $0xFFFF  }
0xbe: {  	[dreg:$0x0] =	wrdreg $0xFFFFFFFF;
	(pc) =	sbr.abs _section_cstart, $3  }
0xbf: {  	[dreg:$0x1] =	wrdreg $0xFFFFFFFF  }
0xc0: {  	_ =	task.clear_ibuf [dreg:s6], $0x2FFFF;
	_ =	strace $0x9FFFFFFF  }
0xc1: {  	(tm) =	ssettm $0x7FFFFFFF  }
tec
execute0_lowered:
.L_overlay_start_1:
0x0: {  	(tag) =	ssettag $0x1  }
0x1: {  	s5 =	rddreg [dreg:$0x0];
	s2 =	srdreg.scid  }
0x2: {  	s0 =	rddreg [dreg:$0x1];
	s1 =	stileid.u32;
	s9 =	simm.s32 $0x4010  }
0x3: {  	s10 =	simm.s32 $0x8010;
	s11 =	simm.s32 $0xC020;
	s12 =	simm.s32 $0x10030  }
0x4: {  	s13 =	simm.s32 $0x14040;
	s14 =	simm.s32 $0x1;
	s15 =	simm.s32 $0x2  }
0x5: {  	s16 =	simm.s32 $0x0;
	s4 =	sand.u32 $0x1, s2;
	s2 =	simm.s32 $0x0  }
0x6: {  	s3 =	sshll.u32 s1, $0x5;
	s6 =	sshll.u32 s4, $0x4;
	[smem:$0x7FF] =	sst s2  }
0x7: {  	s30 =	ssub.s32 $0x2, s4;
	s4 =	sadd.s32 $0x21000, s5;
	s3 =	sor.u32 s6, s3  }
0x8: {  	_ =	strace $0x80000047;
	s7 =	sshrl.u32 s30, $0x1;
	s31 =	sshll.u32 s3, $0x7  }
0x9: {  	s7 =	ssub.s32 s30, s7;
	s8 =	sadd.s32 s31, s5;
	s5 =	sadd.s32 $0x21A00, s5  }
0xa: {  	s7 =	smax.u32 s7, $0x1;
	s6 =	sadd.s32 $0x11000, s8;
	s8 =	simm.s32 $0x3  }
.LBB2_1:
0xb: {  	[tilespmem:s2], [sflag:$0x3] =	stream.linear.gather [hbm4b:s4+s2], $0x4010, $0x38;
	[tilespmem:$0x18050] =	vst v63  }
0xc: {  	_ =	swait.ge [sflag:s8], $0x4010  }
0xd: {  	[sflag:s8] =	ssyncset.done $0x0  }
0xe: {  	[sflag:s8] =	ssyncadd.s32 $0xFFFFBFF0  }
0xf: {  	[tilespmem:s9], [sflag:$0x3] =	stream.linear.gather [hbm4b:s6+s2], $0x4000, $0x38;
	[tilespmem:$0x18050] =	vst v63  }
0x10: {  	_ =	swait.ge [sflag:s8], $0x4000  }
0x11: {  	[sflag:s8] =	ssyncset.done $0x0  }
0x12: {  	s17 =	simm.s32 $0x0;
	[sflag:s8] =	ssyncadd.s32 $0xFFFFC000  }
.LBB2_2:
0x13: {  	p0 =	seq.s32 s17, $0x0  }
0x14: {  	s18 =	simm.s32 @!p0 $0x1  }
0x15: {  	_ =	swait.ge @!p0 [sflag:s18], $0x4001  }
0x16: {  	[sflag:s18] =	ssyncset.done @!p0 $0x0  }
0x17: {  	[sflag:s18] =	ssyncadd.s32 @!p0 $0xFFFFBFFF  }
0x18: {  	_ =	swait.ge @!p0 [sflag:s18], $0x4001  }
0x19: {  	[sflag:s18] =	ssyncset.done @!p0 $0x0  }
0x1a: {  	[sflag:s18] =	ssyncadd.s32 @!p0 $0xFFFFBFFF;
	s18 =	simm.s32 $0x0  }
0x1b: {  	v2 =	vld [tilespmem:s18+$0x70]  }
0x1c: {  	v3 =	vld [tilespmem:s18+$0x0]  }
0x1d: {  	v4 =	vld [tilespmem:s18+$0x10]  }
0x1e: {  	s19 =	sshll.u32 s17, $0xC;
	v5 =	vld [tilespmem:s18+$0x20]  }
0x1f: {  	v0 =	vmov s19;
	v6 =	vld [tilespmem:s18+$0x30]  }
0x20: {  	v8 =	vld [tilespmem:s18+$0x40];
	v1 =	vadd.s32 v0, v2  }
0x21: {  	v10 =	vld [tilespmem:s18+$0x50];
	v7 =	vadd.s32 v0, v3  }
0x22: {  	v9 =	vadd.s32 v0, v4  }
0x23: {  	v12 =	vadd.s32 v0, v5  }
0x24: {  	v11 =	vld [tilespmem:s18+$0x60];
	v13 =	vadd.s32 v0, v6  }
0x25: {  	s19 =	sor.u32 $0x400, s19;
	v14 =	vadd.s32 v0, v8;
	v15 =	vld.idx.msk [tilespmem:v1+s9+$0x0], $0xffff  }
0x26: {  	v16 =	vadd.s32 v0, v10;
	v1 =	vmov s19;
	v7 =	vld.idx.msk [tilespmem:v7+s9+$0x0], $0xffff  }
0x27: {  	v17 =	vld.idx.msk [tilespmem:v9+s9+$0x0], $0xffff;
	v2 =	vadd.s32 v1, v2  }
0x28: {  	v12 =	vld.idx.msk [tilespmem:v12+s9+$0x0], $0xffff;
	v4 =	vadd.s32 v1, v4  }
0x29: {  	v18 =	vadd.s32 v0, v11;
	v13 =	vld.idx.msk [tilespmem:v13+s9+$0x0], $0xffff  }
0x2a: {  	v14 =	vld.idx.msk [tilespmem:v14+s9+$0x0], $0xffff;
	v3 =	vadd.s32 v1, v3  }
0x2b: {  	v16 =	vld.idx.msk [tilespmem:v16+s9+$0x0], $0xffff;
	v19 =	vadd.s32 v1, v5;
	[tilespmem:s18+$0x8080] =	vst v15  }
0x2c: {  	v63 =	vadd.s32 v1, v6;
	[tilespmem:s18+$0x8020] =	vst v17;
	v9 =	vld.idx.msk [tilespmem:v2+s9+$0x0], $0xffff  }
0x2d: {  	[tilespmem:s18+$0x8010] =	vst v7;
	v6 =	vld.idx.msk [tilespmem:v4+s9+$0x0], $0xffff;
	v4 =	vadd.s32 v1, v8  }
0x2e: {  	v7 =	vld.idx.msk [tilespmem:v18+s9+$0x0], $0xffff;
	[tilespmem:s18+$0x8030] =	vst v12  }
0x2f: {  	[tilespmem:s18+$0x8040] =	vst v13;
	v5 =	vld.idx.msk [tilespmem:v3+s9+$0x0], $0xffff  }
0x30: {  	[tilespmem:s18+$0x8050] =	vst v14;
	v8 =	vld.idx.msk [tilespmem:v19+s9+$0x0], $0xffff  }
0x31: {  	s20 =	sshll.u32 s17, $0x1;
	s21 =	simm.s32 $0x200;
	s19 =	simm.s32 $0x0;
	[tilespmem:s18+$0x8060] =	vst v16;
	v3 =	vadd.s32 v1, v10;
	v2 =	vadd.s32 v1, v11;
	v10 =	vld.idx.msk [tilespmem:v63+s9+$0x0], $0xffff  }
.LBB2_3:
0x32: {  	s22 =	sshra.s32 s21, $0x2;
	s19 =	sadd.s32 $0x8, s19;
	v4 =	vld.idx.msk [tilespmem:v4+s9+$0x0], $0xffff;
	[tilespmem:s18+$0xC090] =	vst v9  }
0x33: {  	v9 =	vld [tilespmem:s22+$0x70];
	p1 =	slt.u32 s19, $0x3F8;
	[tilespmem:s18+$0x8070] =	vst v7  }
0x34: {  	v7 =	vld [tilespmem:s22+$0x0];
	[tilespmem:s18+$0xC020] =	vst v5  }
0x35: {  	v5 =	vld [tilespmem:s22+$0x10];
	[tilespmem:s18+$0xC030] =	vst v6  }
0x36: {  	v6 =	vld [tilespmem:s22+$0x20];
	[tilespmem:s18+$0xC040] =	vst v8  }
0x37: {  	v8 =	vld [tilespmem:s22+$0x30];
	[tilespmem:s18+$0xC050] =	vst v10  }
0x38: {  	v10 =	vld [tilespmem:s22+$0x40];
	v11 =	vadd.s32 v0, v9;
	[tilespmem:s18+$0xC060] =	vst v4  }
0x39: {  	v12 =	vadd.s32 v0, v7;
	v13 =	vadd.s32 v1, v7;
	v7 =	vld [tilespmem:s22+$0x50]  }
0x3a: {  	v14 =	vadd.s32 v0, v5;
	v15 =	vadd.s32 v1, v5;
	v5 =	vld [tilespmem:s22+$0x60]  }
0x3b: {  	v16 =	vadd.s32 v0, v6;
	v17 =	vadd.s32 v1, v6;
	v6 =	vld.idx.msk [tilespmem:v3+s9+$0x0], $0xffff  }
0x3c: {  	v18 =	vadd.s32 v0, v8;
	v19 =	vadd.s32 v1, v8;
	v8 =	vld.idx.msk [tilespmem:v2+s9+$0x0], $0xffff  }
0x3d: {  	v20 =	vadd.s32 v0, v10;
	v4 =	vadd.s32 v1, v10;
	v10 =	vld.idx.msk [tilespmem:v11+s9+$0x0], $0xffff  }
0x3e: {  	v11 =	vld.idx.msk [tilespmem:v12+s9+$0x0], $0xffff;
	v12 =	vadd.s32 v0, v7;
	v3 =	vadd.s32 v1, v7  }
0x3f: {  	v7 =	vld.idx.msk [tilespmem:v14+s9+$0x0], $0xffff;
	v14 =	vadd.s32 v0, v5;
	v2 =	vadd.s32 v1, v5;
	v5 =	vadd.s32 v1, v9  }
0x40: {  	v16 =	vld.idx.msk [tilespmem:v16+s9+$0x0], $0xffff  }
0x41: {  	v18 =	vld.idx.msk [tilespmem:v18+s9+$0x0], $0xffff;
	[tilespmem:s18+$0xC070] =	vst v6  }
0x42: {  	v20 =	vld.idx.msk [tilespmem:v20+s9+$0x0], $0xffff;
	[tilespmem:s18+$0xC080] =	vst v8;
	s18 =	smov.u32 s22  }
0x43: {  	v12 =	vld.idx.msk [tilespmem:v12+s9+$0x0], $0xffff;
	[tilespmem:s18+$0x8080] =	vst v10  }
0x44: {  	[tilespmem:s18+$0x8010] =	vst v11;
	v9 =	vld.idx.msk [tilespmem:v5+s9+$0x0], $0xffff  }
.Ltmp0:
0x45: {  	[tilespmem:s18+$0x8020] =	vst v7;
	v7 =	vld.idx.msk [tilespmem:v14+s9+$0x0], $0xffff;
	(pc) =	sbr.rel @p1 .LBB2_3-.Ltmp0, $4  }
0x46: {  	v5 =	vld.idx.msk [tilespmem:v13+s9+$0x0], $0xffff;
	[tilespmem:s18+$0x8030] =	vst v16  }
0x47: {  	v6 =	vld.idx.msk [tilespmem:v15+s9+$0x0], $0xffff;
	[tilespmem:s18+$0x8040] =	vst v18  }
0x48: {  	v8 =	vld.idx.msk [tilespmem:v17+s9+$0x0], $0xffff;
	[tilespmem:s18+$0x8050] =	vst v20  }
0x49: {  	s21 =	sadd.s32 $0x200, s21;
	v10 =	vld.idx.msk [tilespmem:v19+s9+$0x0], $0xffff;
	[tilespmem:s18+$0x8060] =	vst v12  }
0x4a: {  	_ =	sdelay $0x2  }
0x4b: {  	[tilespmem:s18+$0xC090] =	vst v9  }
0x4c: {  	v4 =	vld.idx.msk [tilespmem:v4+s9+$0x0], $0xffff;
	[tilespmem:s18+$0x8070] =	vst v7  }
0x4d: {  	v3 =	vld.idx.msk [tilespmem:v3+s9+$0x0], $0xffff;
	[tilespmem:s18+$0xC020] =	vst v5  }
0x4e: {  	v2 =	vld.idx.msk [tilespmem:v2+s9+$0x0], $0xffff;
	[tilespmem:s18+$0xC030] =	vst v6  }
0x4f: {  	[tilespmem:s18+$0xC040] =	vst v8  }
0x50: {  	[tilespmem:s18+$0xC050] =	vst v10  }
0x51: {  	[tilespmem:s18+$0xC060] =	vst v4  }
0x52: {  	[tilespmem:s18+$0xC070] =	vst v3  }
0x53: {  	[tilespmem:s18+$0xC080] =	vst v2  }
0x54: {  	v2 =	vld [tilespmem:$0x4000];
	_ =	sdelay $0x4  }
0x55: {  	v0 =	vadd.s32 v0, v2;
	_ =	sdelay $0x4  }
0x56: {  	v0 =	vld.idx.msk [tilespmem:v0+s9+$0x0], $0xffff  }
0x57: {  	v1 =	vadd.s32 v1, v2;
	_ =	sdelay $0x3  }
0x58: {  	s31 =	sshll.u32 s17, $0x2;
	[tilespmem:$0xC010] =	vst v0  }
0x59: {  	s18 =	sadd.s32 s3, s31;
	v0 =	vld.idx.msk [tilespmem:v1+s9+$0x0], $0xffff  }
0x5a: {  	s19 =	smul.u32 $0x801, s18  }
0x5b: {  	s18 =	smul.u32 $0x4008, s18;
	_ =	sdelay $0x1  }
0x5c: {  	s18 =	sadd.s32 $0x4008, s18  }
0x5d: {  	s19 =	sadd.s32 s5, s19;
	s18 =	sshrl.u32 s18, $0x3;
	[tilespmem:$0x10020] =	vst v0  }
0x5e: {  	[hbm4b:s19+s2] =	stream.linear.scatter [tilespmem:s10], [sflag:$0x1], $0x4001, $0x38;
	[tilespmem:$0x18050] =	vst v63  }
0x5f: {  	s18 =	sadd.s32 s5, s18  }
0x60: {  	[hbm4b:s18+s2] =	stream.linear.scatter [tilespmem:s11], [sflag:$0x1], $0x4001, $0x38;
	[tilespmem:$0x18050] =	vst v63  }
0x61: {  	s18 =	simm.s32 @!p0 $0x2  }
0x62: {  	_ =	swait.ge @!p0 [sflag:s18], $0x4001  }
0x63: {  	[sflag:s18] =	ssyncset.done @!p0 $0x0  }
0x64: {  	[sflag:s18] =	ssyncadd.s32 @!p0 $0xFFFFBFFF  }
0x65: {  	_ =	swait.ge @!p0 [sflag:s18], $0x4001  }
0x66: {  	[sflag:s18] =	ssyncset.done @!p0 $0x0  }
0x67: {  	s19 =	simm.s32 $0x0;
	[sflag:s18] =	ssyncadd.s32 @!p0 $0xFFFFBFFF  }
0x68: {  	v2 =	vld [tilespmem:s19+$0x70]  }
0x69: {  	v3 =	vld [tilespmem:s19+$0x0]  }
0x6a: {  	s18 =	sor.u32 $0x1, s20;
	v4 =	vld [tilespmem:s19+$0x10]  }
0x6b: {  	s20 =	sshll.u32 s18, $0xB;
	v5 =	vld [tilespmem:s19+$0x20]  }
0x6c: {  	v6 =	vld [tilespmem:s19+$0x30];
	v0 =	vmov s20  }
0x6d: {  	v8 =	vld [tilespmem:s19+$0x40];
	v1 =	vadd.s32 v0, v2  }
0x6e: {  	v10 =	vld [tilespmem:s19+$0x50];
	v7 =	vadd.s32 v0, v3  }
0x6f: {  	v9 =	vadd.s32 v0, v4  }
0x70: {  	v12 =	vadd.s32 v0, v5  }
0x71: {  	v11 =	vld [tilespmem:s19+$0x60];
	v13 =	vadd.s32 v0, v6  }
0x72: {  	s20 =	sor.u32 $0x400, s20;
	v14 =	vadd.s32 v0, v8;
	v15 =	vld.idx.msk [tilespmem:v1+s9+$0x0], $0xffff  }
0x73: {  	v16 =	vadd.s32 v0, v10;
	v1 =	vmov s20;
	v7 =	vld.idx.msk [tilespmem:v7+s9+$0x0], $0xffff  }
0x74: {  	v17 =	vld.idx.msk [tilespmem:v9+s9+$0x0], $0xffff;
	v2 =	vadd.s32 v1, v2  }
0x75: {  	v12 =	vld.idx.msk [tilespmem:v12+s9+$0x0], $0xffff;
	v4 =	vadd.s32 v1, v4  }
0x76: {  	v18 =	vadd.s32 v0, v11;
	v13 =	vld.idx.msk [tilespmem:v13+s9+$0x0], $0xffff  }
0x77: {  	v14 =	vld.idx.msk [tilespmem:v14+s9+$0x0], $0xffff;
	v3 =	vadd.s32 v1, v3  }
0x78: {  	v16 =	vld.idx.msk [tilespmem:v16+s9+$0x0], $0xffff;
	v19 =	vadd.s32 v1, v5;
	[tilespmem:s19+$0x100A0] =	vst v15  }
0x79: {  	v63 =	vadd.s32 v1, v6;
	[tilespmem:s19+$0x10040] =	vst v17;
	v9 =	vld.idx.msk [tilespmem:v2+s9+$0x0], $0xffff  }
0x7a: {  	[tilespmem:s19+$0x10030] =	vst v7;
	v6 =	vld.idx.msk [tilespmem:v4+s9+$0x0], $0xffff;
	v4 =	vadd.s32 v1, v8  }
0x7b: {  	v7 =	vld.idx.msk [tilespmem:v18+s9+$0x0], $0xffff;
	[tilespmem:s19+$0x10050] =	vst v12  }
0x7c: {  	[tilespmem:s19+$0x10060] =	vst v13;
	v5 =	vld.idx.msk [tilespmem:v3+s9+$0x0], $0xffff  }
0x7d: {  	[tilespmem:s19+$0x10070] =	vst v14;
	v8 =	vld.idx.msk [tilespmem:v19+s9+$0x0], $0xffff  }
0x7e: {  	s21 =	simm.s32 $0x200;
	s20 =	simm.s32 $0x0;
	[tilespmem:s19+$0x10080] =	vst v16;
	v3 =	vadd.s32 v1, v10;
	v2 =	vadd.s32 v1, v11;
	v10 =	vld.idx.msk [tilespmem:v63+s9+$0x0], $0xffff  }
.LBB2_5:
0x7f: {  	s22 =	sshra.s32 s21, $0x2;
	s20 =	sadd.s32 $0x8, s20;
	v4 =	vld.idx.msk [tilespmem:v4+s9+$0x0], $0xffff;
	[tilespmem:s19+$0x140B0] =	vst v9  }
0x80: {  	v9 =	vld [tilespmem:s22+$0x70];
	p0 =	slt.u32 s20, $0x3F8;
	[tilespmem:s19+$0x10090] =	vst v7  }
0x81: {  	v7 =	vld [tilespmem:s22+$0x0];
	[tilespmem:s19+$0x14040] =	vst v5  }
0x82: {  	v5 =	vld [tilespmem:s22+$0x10];
	[tilespmem:s19+$0x14050] =	vst v6  }
0x83: {  	v6 =	vld [tilespmem:s22+$0x20];
	[tilespmem:s19+$0x14060] =	vst v8  }
0x84: {  	v8 =	vld [tilespmem:s22+$0x30];
	[tilespmem:s19+$0x14070] =	vst v10  }
0x85: {  	v10 =	vld [tilespmem:s22+$0x40];
	v11 =	vadd.s32 v0, v9;
	[tilespmem:s19+$0x14080] =	vst v4  }
0x86: {  	v12 =	vadd.s32 v0, v7;
	v13 =	vadd.s32 v1, v7;
	v7 =	vld [tilespmem:s22+$0x50]  }
0x87: {  	v14 =	vadd.s32 v0, v5;
	v15 =	vadd.s32 v1, v5;
	v5 =	vld [tilespmem:s22+$0x60]  }
0x88: {  	v16 =	vadd.s32 v0, v6;
	v17 =	vadd.s32 v1, v6;
	v6 =	vld.idx.msk [tilespmem:v3+s9+$0x0], $0xffff  }
0x89: {  	v18 =	vadd.s32 v0, v8;
	v19 =	vadd.s32 v1, v8;
	v8 =	vld.idx.msk [tilespmem:v2+s9+$0x0], $0xffff  }
0x8a: {  	v20 =	vadd.s32 v0, v10;
	v4 =	vadd.s32 v1, v10;
	v10 =	vld.idx.msk [tilespmem:v11+s9+$0x0], $0xffff  }
0x8b: {  	v11 =	vld.idx.msk [tilespmem:v12+s9+$0x0], $0xffff;
	v12 =	vadd.s32 v0, v7;
	v3 =	vadd.s32 v1, v7  }
0x8c: {  	v7 =	vld.idx.msk [tilespmem:v14+s9+$0x0], $0xffff;
	v14 =	vadd.s32 v0, v5;
	v2 =	vadd.s32 v1, v5;
	v5 =	vadd.s32 v1, v9  }
0x8d: {  	v16 =	vld.idx.msk [tilespmem:v16+s9+$0x0], $0xffff  }
0x8e: {  	v18 =	vld.idx.msk [tilespmem:v18+s9+$0x0], $0xffff;
	[tilespmem:s19+$0x14090] =	vst v6  }
0x8f: {  	v20 =	vld.idx.msk [tilespmem:v20+s9+$0x0], $0xffff;
	[tilespmem:s19+$0x140A0] =	vst v8;
	s19 =	smov.u32 s22  }
0x90: {  	v12 =	vld.idx.msk [tilespmem:v12+s9+$0x0], $0xffff;
	[tilespmem:s19+$0x100A0] =	vst v10  }
0x91: {  	[tilespmem:s19+$0x10030] =	vst v11;
	v9 =	vld.idx.msk [tilespmem:v5+s9+$0x0], $0xffff  }
.Ltmp1:
0x92: {  	[tilespmem:s19+$0x10040] =	vst v7;
	v7 =	vld.idx.msk [tilespmem:v14+s9+$0x0], $0xffff;
	(pc) =	sbr.rel @p0 .LBB2_5-.Ltmp1, $4  }
0x93: {  	v5 =	vld.idx.msk [tilespmem:v13+s9+$0x0], $0xffff;
	[tilespmem:s19+$0x10050] =	vst v16  }
0x94: {  	v6 =	vld.idx.msk [tilespmem:v15+s9+$0x0], $0xffff;
	[tilespmem:s19+$0x10060] =	vst v18  }
0x95: {  	v8 =	vld.idx.msk [tilespmem:v17+s9+$0x0], $0xffff;
	[tilespmem:s19+$0x10070] =	vst v20  }
0x96: {  	s21 =	sadd.s32 $0x200, s21;
	v10 =	vld.idx.msk [tilespmem:v19+s9+$0x0], $0xffff;
	[tilespmem:s19+$0x10080] =	vst v12  }
0x97: {  	_ =	sdelay $0x2  }
0x98: {  	[tilespmem:s19+$0x140B0] =	vst v9  }
0x99: {  	v4 =	vld.idx.msk [tilespmem:v4+s9+$0x0], $0xffff;
	[tilespmem:s19+$0x10090] =	vst v7  }
0x9a: {  	v3 =	vld.idx.msk [tilespmem:v3+s9+$0x0], $0xffff;
	[tilespmem:s19+$0x14040] =	vst v5  }
0x9b: {  	v2 =	vld.idx.msk [tilespmem:v2+s9+$0x0], $0xffff;
	[tilespmem:s19+$0x14050] =	vst v6  }
0x9c: {  	[tilespmem:s19+$0x14060] =	vst v8  }
0x9d: {  	[tilespmem:s19+$0x14070] =	vst v10  }
0x9e: {  	[tilespmem:s19+$0x14080] =	vst v4  }
0x9f: {  	[tilespmem:s19+$0x14090] =	vst v3  }
0xa0: {  	[tilespmem:s19+$0x140A0] =	vst v2  }
0xa1: {  	v2 =	vld [tilespmem:$0x4000];
	_ =	sdelay $0x4  }
0xa2: {  	v0 =	vadd.s32 v0, v2;
	_ =	sdelay $0x4  }
0xa3: {  	v0 =	vld.idx.msk [tilespmem:v0+s9+$0x0], $0xffff  }
0xa4: {  	v1 =	vadd.s32 v1, v2;
	_ =	sdelay $0x3  }
0xa5: {  	s18 =	sshll.u32 s18, $0x1;
	[tilespmem:$0x14030] =	vst v0  }
0xa6: {  	s18 =	sadd.s32 s3, s18;
	v0 =	vld.idx.msk [tilespmem:v1+s9+$0x0], $0xffff  }
0xa7: {  	s31 =	smul.u32 $0x801, s18  }
0xa8: {  	s17 =	sadd.s32 $0x1, s17;
	s18 =	smul.u32 $0x4008, s18  }
0xa9: {  	p0 =	sne.s32 s17, $0x4  }
.Ltmp2:
0xaa: {  	s18 =	sadd.s32 $0x4008, s18;
	(pc) =	sbr.rel @p0 .LBB2_2-.Ltmp2, $4  }
0xab: {  	s18 =	sshrl.u32 s18, $0x3;
	s19 =	sadd.s32 s5, s31;
	[tilespmem:$0x18040] =	vst v0  }
0xac: {  	[hbm4b:s19+s2] =	stream.linear.scatter [tilespmem:s12], [sflag:$0x2], $0x4001, $0x38;
	[tilespmem:$0x18050] =	vst v63  }
0xad: {  	s18 =	sadd.s32 s5, s18  }
0xae: {  	[hbm4b:s18+s2] =	stream.linear.scatter [tilespmem:s13], [sflag:$0x2], $0x4001, $0x38;
	[tilespmem:$0x18050] =	vst v63  }
0xaf: {  	_ =	swait.ge [sflag:s14], $0x4001  }
0xb0: {  	[sflag:s14] =	ssyncset.done $0x0  }
0xb1: {  	[sflag:s14] =	ssyncadd.s32 $0xFFFFBFFF  }
0xb2: {  	_ =	swait.ge [sflag:s14], $0x4001  }
0xb3: {  	[sflag:s14] =	ssyncset.done $0x0  }
0xb4: {  	s16 =	sadd.s32 $0x1, s16;
	[sflag:s14] =	ssyncadd.s32 $0xFFFFBFFF  }
0xb5: {  	p0 =	sne.s32 s16, s7;
	_ =	swait.ge [sflag:s15], $0x4001  }
.Ltmp3:
0xb6: {  	[sflag:s15] =	ssyncset.done $0x0;
	(pc) =	sbr.rel @p0 .LBB2_1-.Ltmp3, $4  }
0xb7: {  	[sflag:s15] =	ssyncadd.s32 $0xFFFFBFFF  }
0xb8: {  	_ =	swait.ge [sflag:s15], $0x4001  }
0xb9: {  	[sflag:s15] =	ssyncset.done $0x0  }
0xba: {  	[sflag:s15] =	ssyncadd.s32 $0xFFFFBFFF  }
0xbb: {  	_ =	sfence.sel $0x180000  }
0xbc: {  	[bflag:$0x0] =	sbarrier.arrive $0xFFFF  }
0xbd: {  	p0 =	sne.s32 s1, $0x0;
	_ =	strace $0x90000047  }
0xbe: {  	s0 =	sadd.s32 @!p0 $0x100000, s0;
	[bflag:$0x2] =	sbarrier.arrive $0xFFFF  }
0xbf: {  	[sflag:s0] =	ssyncadd.tile.s32 @!p0 $0x1;
	_ =	shalt  }
.Lfunc_end2:
_tile_overlayer_lowered:
.L_overlay_start_2:
0xc0: {  	(tag) =	ssettag $0x2  }
0xc1: {  	s0 =	rddreg [dreg:$0x0];
	s2 =	stileid.u32  }
0xc2: {  	s1 =	rddreg [dreg:$0x1];
	p0 =	sne.s32 s2, $0x0  }
0xc3: {  	s3 =	rddreg [dreg:$0x2];
	[bflag:$0x3] =	sbarrier.arrive $0xFFFF;
	s2 =	simm.s32 @!p0 $0x1C03  }
0xc4: {  	[timem:s3], [sflag:s2] =	dma.local @!p0 [hbm:s0], s1  }
0xc5: {  	s0 =	simm.s32 @!p0 $0x3  }
0xc6: {  	_ =	swait.ge @!p0 [sflag:s0], s1  }
0xc7: {  	s1 =	ssub.s32 @!p0 $0x0, s1;
	[sflag:s0] =	ssyncset.done @!p0 $0x0  }
0xc8: {  	[sflag:s0] =	ssyncadd.s32 @!p0 s1  }
0xc9: {  	[bflag:$0x3] =	sbarrier.arrive $0xFFFF  }
0xca: {  	_ =	shalt  }

// kernel: sparse-core-data-format-call.cloned.1.call-start
scs
called_computation_lowered:
.L_overlay_start_0:
0x0: {  	s2 =	sld [smem:$0x3FD9]  }
0x1: {  	s3 =	sld [smem:$0x3FFE];
	_ =	sdelay $0x1  }
0x2: {  	s1 =	srdreg.scid  }
0x3: {  	s0 =	sand.u32 $0x1, s1  }
0x4: {  	s18 =	sshll.u32 s0, $0xA;
	s2 =	sadd.s32 s3, s2  }
0x5: {  	s2 =	sadd.s32 s2, s18  }
0x6: {  	[smem:$0x3FC6] =	sst s2  }
0x7: {  	_ = 	snop  }
0x8: {  	s2 =	sld [smem:$0x3FD0];
	(tm) =	ssettm $0x1  }
0x9: {  	s19 =	sld [smem:$0x3FFB];
	_ =	sdelay $0x3  }
0xa: {  	_ =	strace s19  }
0xb: {  	s3 =	sld [smem:$0x3FFC];
	_ =	sdelay $0x3  }
0xc: {  	_ =	strace s3  }
0xd: {  	s3 =	sld [smem:$0x3FFD];
	_ =	sdelay $0x3  }
0xe: {  	_ =	strace s3  }
0xf: {  	_ =	strace $0x8FFFFFFF  }
0x10: {  	s20 =	sld [smem:$0x3FDB];
	_ =	sdelay $0x1  }
0x11: {  	s4 =	simm.s32 $_scs_section_size  }
0x12: {  	s5 =	simm.s32 $_size__tile_overlayer_lowered;
	s6 =	simm.s32 $_tile_overlayer_lowered  }
0x13: {  	s23 =	simm.s32 $0x1BFF;
	s22 =	sshll.u32 s6, $0x1;
	s3 =	sadd.s32 s4, s20  }
0x14: {  	s7 =	simm.s32 $0x0;
	s21 =	sshll.u32 s5, $0x1;
	s5 =	sadd.s32 s22, s3  }
0x15: {  	[timem:s7], [sflag:s23] =	dma.local [hbm:s5], s21  }
0x16: {  	_ =	swait.ge [sflag:s23], s21  }
0x17: {  	s4 =	ssub.s32 $0x0, s21;
	[sflag:s23] =	ssyncset.done $0x0  }
0x18: {  	[sflag:s23] =	ssyncadd.s32 s4;
	_ =	sdelay $0x1  }
0x19: {  	s24 =	simm.s32 $0x1B8B  }
0x1a: {  	_ =	swait.ge [sflag:s24], $0x1  }
0x1b: {  	[sflag:s24] =	ssyncset.done $0x0  }
0x1c: {  	s26 =	simm.s32 $0x1B8E;
	s25 =	sld [smem:$0x3FFE];
	[sflag:s24] =	ssyncadd.s32 $0xFFFFFFFF  }
0x1d: {  	s27 =	simm.s32 $execute0_lowered;
	[smem:$0x3FD2] =	sst s26  }
0x1e: {  	s5 =	sshll.u32 s27, $0x1;
	_ =	strace $0x8000004C;
	[dreg:$0x1] =	wrdreg $0xFFFFFFFF  }
0x1f: {  	s28 =	simm.s32 $_size_execute0_lowered;
	s3 =	sadd.s32 s3, s5;
	[dreg:$0x0] =	wrdreg $0x0  }
0x20: {  	s5 =	sshll.u32 s28, $0x1;
	[dreg:$0x2] =	wrdreg s3  }
0x21: {  	[dreg:$0x3] =	wrdreg s5  }
0x22: {  	[dreg:$0x4] =	wrdreg $0xC0  }
0x23: {  	_ =	task [dreg:s7], $0x5FFFF  }
0x24: {  	[dreg:$0x1] =	wrdreg $0xFFFFFFFF  }
0x25: {  	[dreg:$0x0] =	wrdreg $0x60  }
0x26: {  	[dreg:$0x2] =	wrdreg s25  }
0x27: {  	[dreg:$0x3] =	wrdreg s2  }
0x28: {  	[dreg:$0x4] =	wrdreg $0x9  }
0x29: {  	_ =	task.clear_ibuf [dreg:s7], $0x5FFFF;
	_ =	strace $0x9000004C  }
0x2a: {  	s29 =	simm.s32 $0x9;
	_ =	strace $0x8000004E  }
0x2b: {  	_ =	swait.ge [sflag:s29], $0x1  }
0x2c: {  	[sflag:s29] =	ssyncadd.s32 $0xFFFFFFFF  }
0x2d: {  	_ =	strace $0x9000004E  }
0x2e: {  	_ =	sfence  }
0x2f: {  	s30 =	sld [smem:$0x0];
	_ =	sdelay $0x2  }
0x30: {  	s31 =	sshll.u32 s1, $0xD;
	s1 =	sshrl.u32 s1, $0x2  }
0x31: {  	s3 =	sand.u32 $0x4000, s31;
	s1 =	sadd.s32 s1, s30  }
0x32: {  	s0 =	sor.u32 s3, s0;
	s1 =	sshll.u32 s1, $0x11  }
0x33: {  	s0 =	sor.u32 s1, s0  }
0x34: {  	s0 =	sadd.s32 $0x8F2B, s0  }
0x35: {  	[sflag:s0] =	ssyncadd.remote.s32 $0x1  }
0x36: {  	_ =	sfence.sel $0xFFFF  }
0x37: {  	[dreg:$0x0] =	wrdreg $0xFFFFFFFF;
	(pc) =	sbr.abs _section_cstart, $3  }
0x38: {  	[dreg:$0x1] =	wrdreg $0xFFFFFFFF  }
0x39: {  	_ =	task.clear_ibuf [dreg:s7], $0x2FFFF;
	_ =	strace $0x9FFFFFFF  }
0x3a: {  	(tm) =	ssettm $0x7FFFFFFF  }
0x3b: {  	_ =	shalt  }
tec
execute0_lowered:
.L_overlay_start_1:
0x0: {  	(tag) =	ssettag $0x1  }
0x1: {  	s0 =	stileid.u32  }
0x2: {  	s2 =	srdreg.scid;
	s7 =	rddreg [dreg:$0x0]  }
0x3: {  	s6 =	simm.s32 $0x1;
	s31 =	simm.s32 $0x2;
	s16 =	simm.s32 $0x0  }
0x4: {  	s9 =	simm.s32 $0x400;
	s15 =	simm.s32 $0x0;
	s10 =	simm.s32 $0x0  }
0x5: {  	s11 =	simm.s32 $0x0;
	s14 =	simm.s32 $0x0;
	s1 =	sshll.u32 s0, $0x7  }
0x6: {  	s3 =	sshll.u32 s0, $0x4;
	s2 =	sshll.u32 s2, $0x8;
	s1 =	sand.u32 $0x380, s1  }
0x7: {  	s7 =	sadd.s32 $0x307000, s7;
	s2 =	sor.u32 s3, s2;
	s5 =	ssub.s32 $0x400, s1  }
0x8: {  	s3 =	rddreg [dreg:$0x1];
	s4 =	sand.u32 $0x180, s2;
	s29 =	sand.u32 $0x380, s5  }
0x9: {  	s30 =	ssub.s32 $0x4000, s4;
	s5 =	sshrl.u32 s5, $0xA;
	p0 =	sne.s32 s29, $0x0  }
.Ltmp0:
0xa: {  	s8 =	sshrl.u32 s30, $0x9;
	s6 =	simm.s32 @!p0 $0x0;
	(pc) =	sbr.rel .LBB1_1-.Ltmp0, $4  }
0xb: {  	s2 =	rddreg [dreg:$0x2];
	s8 =	sadd.s32 $0x1, s8;
	s6 =	sadd.s32 s6, s5  }
0xc: {  	_ =	strace $0x8000004D;
	s5 =	simm.s32 $0x1;
	s6 =	smul.u32 s6, s8  }
0xd: {  	s13 =	smov.u32 s1;
	s12 =	smov.u32 s4;
	[sflag:s5] =	ssyncpa.u1 $0x0  }
0xe: {  	p0 =	por $0x0, $0x0;
	[sflag:s31] =	ssyncpa.u1 $0x0;
	s8 =	sadd.s32 $0x1, s6  }
.LBB1_4:
0xf: {  	v5 =	vld [tilespmem:s18+$0xFFFFFFD0];
	[tilespmem:s20+$0x2040 ss:$0x81] =	vst.msk $0xffff, v3  }
0x10: {  	v58 =	vld [tilespmem:s18+$0xFFFFFFE0];
	[tilespmem:s20+$0x2850 ss:$0x81] =	vst.msk $0xffff, v4;
	s21 =	sshra.s32 s21, $0x2;
	p1 =	sgt.s32 s10, $0x3F81;
	s22 =	smov.u32 s10  }
0x11: {  	v59 =	vld [tilespmem:s18+$0xFFFFFFF0];
	[tilespmem:s20+$0x3060 ss:$0x81] =	vst.msk $0xffff, v2;
	s30 =	sshra.s32 s10, $0x1F;
	s23 =	sshra.s32 s11, $0x1F;
	s19 =	sadd.s32 s21, s19  }
0x12: {  	v60 =	vld [tilespmem:s18+$0x0];
	[tilespmem:s20+$0x0 ss:$0x81] =	vst.msk $0xffff, v1;
	s22 =	simm.s32 @!p1 $0x3F81;
	p1 =	sgt.s32 s11, $0x380;
	s21 =	smov.u32 s11  }
0x13: {  	v61 =	vld [tilespmem:s18+$0x10];
	s31 =	sand.u32 s30, s10;
	s23 =	sand.u32 s23, s11;
	[tilespmem:s19+$0x3870 ss:$0x81] =	vst.msk $0xffff, v0;
	s21 =	simm.s32 @!p1 $0x380  }
0x14: {  	v62 =	vld [tilespmem:s18+$0x20];
	s20 =	ssub.s32 s22, s31;
	s21 =	ssub.s32 s21, s23;
	[tilespmem:s19+$0x810 ss:$0x81] =	vst.msk $0xffff, v5  }
0x15: {  	v63 =	vld [tilespmem:s18+$0xFFFFFFC0];
	s24 =	sadd.s32 $0xFFFFC07F, s20;
	s20 =	ssub.s32 $0x4001, s20;
	s25 =	sadd.s32 $0xFFFFFC80, s21;
	[tilespmem:s19+$0x1020 ss:$0x81] =	vst.msk $0xffff, v58  }
0x16: {  	p1 =	sgt.s32 s24, $0x7F;
	s18 =	ssub.s32 $0x400, s21;
	[tilespmem:s19+$0x1830 ss:$0x81] =	vst.msk $0xffff, v59;
	p2 =	sgt.s32 s25, $0x7F  }
0x17: {  	s26 =	sshrl.u32 s11, $0x3;
	s20 =	simm.s32 @p1 $0x0;
	[tilespmem:s19+$0x2040 ss:$0x81] =	vst.msk $0xffff, v60;
	s18 =	simm.s32 @p2 $0x0  }
0x18: {  	s28 =	sand.u32 $0x7, s11;
	s27 =	sand.u32 $0x7F, s26;
	[tilespmem:s19+$0x2850 ss:$0x81] =	vst.msk $0xffff, v61;
	s18 =	smul.u32 s18, s20  }
0x19: {  	s29 =	sshll.u32 s10, $0x7;
	s21 =	sshll.u32 s28, $0x12;
	[tilespmem:s19+$0x3060 ss:$0x81] =	vst.msk $0xffff, v62;
	s20 =	sadd.s32 s3, s27  }
0x1a: {  	[tilespmem:s19+$0x0 ss:$0x81] =	vst.msk $0xffff, v63;
	s31 =	sor.u32 $0x80, s21;
	s30 =	sadd.s32 s29, s20;
	s18 =	sand.u32 $0x3FFFFFFF, s18  }
0x1b: {  	[hbm4b:s30+s31] =	stream.strided.scatter [tilespmem:s17], [sflag:$0x2], s18, s9, s31, $0x20;
	[tilespmem:$0x10100] =	vst v63  }
.LBB1_5:
0x1c: {  	p1 =	slt.u32 s14, $0x2  }
0x1d: {  	s18 =	smov.u32 s16;
	p2 =	sgt.s32 @!p1 s16, $0x3F81;
	s17 =	sshra.s32 @!p1 s16, $0x1F  }
0x1e: {  	p3 =	sgt.s32 @!p1 s15, $0x380;
	s19 =	sshra.s32 @!p1 s15, $0x1F;
	p2 =	por !p2, p1  }
0x1f: {  	s16 =	sand.u32 @!p1 s17, s16;
	p3 =	por !p3, p1;
	s17 =	smov.u32 s15  }
0x20: {  	s15 =	sand.u32 @!p1 s19, s15;
	s18 =	simm.s32 @p2 $0x3F81;
	s17 =	simm.s32 @p3 $0x380  }
0x21: {  	s16 =	ssub.s32 @!p1 s18, s16;
	s15 =	ssub.s32 @!p1 s17, s15  }
0x22: {  	s19 =	smov.u32 s13;
	s17 =	sadd.s32 @!p1 $0xFFFFC07F, s16;
	s18 =	sadd.s32 @!p1 $0xFFFFFC80, s15  }
0x23: {  	s16 =	ssub.s32 @!p1 $0x4001, s16;
	p2 =	sgt.s32 @!p1 s17, $0x7F;
	p3 =	sgt.s32 @!p1 s18, $0x7F  }
0x24: {  	s15 =	ssub.s32 @!p1 $0x400, s15;
	p2 =	por !p2, p1;
	p3 =	por !p3, p1  }
0x25: {  	s17 =	sadd.s32 $0x200, s12;
	s16 =	simm.s32 @!p2 $0x0;
	s15 =	simm.s32 @!p3 $0x0  }
0x26: {  	p2 =	sgt.s32 s17, $0x4000;
	s15 =	smul.u32 @!p1 s15, s16;
	s16 =	sadd.s32 $0x400, s13  }
0x27: {  	s19 =	smov.u32 @p2 s16  }
0x28: {  	s17 =	smov.u32 @p2 s4;
	p2 =	sgt.s32 s19, $0x3FF  }
0x29: {  	s19 =	smov.u32 @p2 s1;
	p2 =	sne.s32 s14, s8  }
.Ltmp1:
0x2a: {  	p0 =	por !p0, !p0;
	s18 =	simm.s32 @!p1 $0x2;
	(pc) =	sbr.rel @!p2 .LBB1_6-.Ltmp1, $4  }
0x2b: {  	s16 =	smov.u32 s10;
	s10 =	smov.u32 s12;
	s15 =	sand.u32 @!p1 $0x3FFFFFFF, s15  }
0x2c: {  	s12 =	smov.u32 s17;
	_ =	swait.ge @!p1 [sflag:s18], s15;
	s20 =	ssub.s32 @!p1 $0x0, s15  }
0x2d: {  	s15 =	smov.u32 s11;
	s14 =	sadd.s32 $0x1, s14;
	[sflag:s18] =	ssyncset.done @!p1 $0x0  }
0x2e: {  	s11 =	smov.u32 s13;
	s13 =	smov.u32 s19;
	[sflag:s18] =	ssyncadd.s32 @!p1 s20  }
.LBB1_1:
0x2f: {  	p1 =	sge.u32 s14, s6  }
0x30: {  	s17 =	sshrl.u32 @!p1 s13, $0x3  }
0x31: {  	s18 =	sshll.u32 @!p1 s12, $0x3;
	s17 =	smul.u32 @!p1 $0x20400, s17  }
0x32: {  	s19 =	sshll.u32 @!p1 s13, $0x7;
	s18 =	sand.u32 @!p1 $0xFFFFFC00, s18  }
0x33: {  	s17 =	sadd.s32 @!p1 s17, s18;
	s18 =	sand.u32 @!p1 $0x380, s19  }
0x34: {  	s19 =	sand.u32 @!p1 $0x7F, s12;
	s17 =	sor.u32 @!p1 s18, s17  }
0x35: {  	s18 =	sor.u32 @!p1 s19, s17  }
0x36: {  	s19 =	smulhi.u32 @!p1 $0xFE03F81, s18;
	_ =	sdelay $0x1  }
0x37: {  	s17 =	smulhi.u32 @!p1 $0xFE03F81, s17;
	s19 =	sshrl.u32 @!p1 s19, $0xA  }
0x38: {  	s19 =	smul.u32 @!p1 $0x4080, s19  }
0x39: {  	s31 =	sadd.s32 $0xFFFFFFFF, s14;
	s20 =	sxor.u32 @!p1 $0xFFFFFFFF, s14;
	s17 =	sshrl.u32 @!p1 s17, $0xA  }
0x3a: {  	s20 =	sshll.u32 @!p1 s20, $0xE;
	s17 =	sand.u32 @!p1 $0x3FF, s17;
	s18 =	ssub.s32 @!p1 s18, s19  }
0x3b: {  	s17 =	smul.u32 @!p1 $0x810, s17;
	s19 =	sshrl.u32 @!p1 s18, $0x3;
	s18 =	sand.u32 @!p1 $0x7, s18  }
0x3c: {  	s20 =	sand.u32 @!p1 $0x4000, s20;
	s19 =	sadd.s32 @!p1 s7, s19;
	s18 =	sshll.u32 @!p1 s18, $0x12  }
0x3d: {  	s17 =	sadd.s32 @!p1 s17, s19;
	s18 =	sor.u32 @!p1 $0x400, s18;
	s19 =	simm.s32 @!p1 $0x20400  }
0x3e: {  	[tilespmem:s20], [sflag:$0x1] =	stream.strided.gather @!p1 [hbm4b:s17+s18], $0x4000, s19, s18, $0x38;
	[tilespmem:$0x10100] =	vst v63  }
0x3f: {  	p1 =	sge.u32 s31, s6  }
.Ltmp2:
0x40: {  	_ = 	snop;
	(pc) =	sbr.rel @p1 .LBB1_5-.Ltmp2, $1  }
0x41: {  	_ =	sdelay $0x3  }
0x42: {  	s17 =	simm.s32 $0x1  }
0x43: {  	_ =	swait.ge [sflag:s5], $0x4000;
	s17 =	simm.s32 @!p0 $0x0  }
0x44: {  	[sflag:s5] =	ssyncset.done $0x0;
	s18 =	sshll.u32 s17, $0xE  }
0x45: {  	[sflag:s5] =	ssyncadd.s32 $0xFFFFC000;
	s18 =	sor.u32 $0x40, s18  }
0x46: {  	s17 =	smul.u32 $0x10200, s17;
	v0 =	vld [tilespmem:s18+$0x30]  }
0x47: {  	v1 =	vld [tilespmem:s18+$0xFFFFFFD0]  }
0x48: {  	s17 =	sshrl.u32 s17, $0x2;
	v5 =	vld [tilespmem:s18+$0xFFFFFFE0]  }
0x49: {  	v6 =	vld [tilespmem:s18+$0xFFFFFFF0];
	s19 =	sor.u32 $0x8000, s17  }
0x4a: {  	s31 =	sand.u32 $0x1, s14;
	v3 =	vld [tilespmem:s18+$0x0];
	s20 =	sadd.s32 $0x0, s19  }
0x4b: {  	v4 =	vld [tilespmem:s18+$0x10];
	s17 =	smul.u32 $0x10200, s31;
	[tilespmem:s20+$0x3870 ss:$0x81] =	vst.msk $0xffff, v0  }
0x4c: {  	v2 =	vld [tilespmem:s18+$0x20];
	[tilespmem:s20+$0x810 ss:$0x81] =	vst.msk $0xffff, v1  }
0x4d: {  	s17 =	sshrl.u32 s17, $0x2;
	v1 =	vld [tilespmem:s18+$0xFFFFFFC0];
	[tilespmem:s20+$0x1020 ss:$0x81] =	vst.msk $0xffff, v5;
	s18 =	sadd.s32 $0x80, s18  }
0x4e: {  	s21 =	simm.s32 $0x4;
	s22 =	simm.s32 $0x8;
	s17 =	sor.u32 $0x8000, s17;
	[tilespmem:s20+$0x1830 ss:$0x81] =	vst.msk $0xffff, v6;
	v0 =	vld [tilespmem:s18+$0x30]  }
.LBB1_3:
0x4f: {  	p1 =	sne.s32 s22, $0x1FC;
	v5 =	vld [tilespmem:s18+$0xFFFFFFD0];
	[tilespmem:s20+$0x2040 ss:$0x81] =	vst.msk $0xffff, v3  }
0x50: {  	v6 =	vld [tilespmem:s18+$0xFFFFFFE0];
	[tilespmem:s20+$0x2850 ss:$0x81] =	vst.msk $0xffff, v4  }
0x51: {  	s23 =	sshra.s32 s21, $0x2;
	s21 =	smov.u32 s22;
	v7 =	vld [tilespmem:s18+$0xFFFFFFF0];
	[tilespmem:s20+$0x3060 ss:$0x81] =	vst.msk $0xffff, v2  }
.Ltmp3:
0x52: {  	v3 =	vld [tilespmem:s18+$0x0];
	[tilespmem:s20+$0x0 ss:$0x81] =	vst.msk $0xffff, v1;
	s20 =	sadd.s32 s23, s19;
	(pc) =	sbr.rel @p1 .LBB1_3-.Ltmp3, $4  }
0x53: {  	v4 =	vld [tilespmem:s18+$0x10];
	[tilespmem:s20+$0x3870 ss:$0x81] =	vst.msk $0xffff, v0  }
0x54: {  	[tilespmem:s20+$0x810 ss:$0x81] =	vst.msk $0xffff, v5;
	v2 =	vld [tilespmem:s18+$0x20]  }
0x55: {  	v1 =	vld [tilespmem:s18+$0xFFFFFFC0];
	[tilespmem:s20+$0x1020 ss:$0x81] =	vst.msk $0xffff, v6;
	s18 =	sadd.s32 $0x80, s18  }
0x56: {  	s22 =	sadd.s32 $0x4, s22;
	v0 =	vld [tilespmem:s18+$0x30];
	[tilespmem:s20+$0x1830 ss:$0x81] =	vst.msk $0xffff, v7  }
.Ltmp4:
0x57: {  	_ = 	snop;
	(pc) =	sbr.rel .LBB1_4-.Ltmp4, $1  }
0x58: {  	_ =	sdelay $0x3  }
.LBB1_6:
0x59: {  	_ =	sfence.sel $0x180000  }
0x5a: {  	s1 =	simm.s32 $0x1;
	[bflag:$0x0] =	sbarrier.arrive $0xFFFF  }
0x5b: {  	s31 =	simm.s32 $0x2;
	[sflag:s1] =	ssyncpa.u1 $0x1  }
0x5c: {  	[sflag:s31] =	ssyncpa.u1 $0x1  }
0x5d: {  	p0 =	sne.s32 s0, $0x0;
	_ =	strace $0x9000004D  }
0x5e: {  	s0 =	sadd.s32 @!p0 $0x100000, s2;
	[bflag:$0x2] =	sbarrier.arrive $0xFFFF  }
0x5f: {  	[sflag:s0] =	ssyncadd.tile.s32 @!p0 $0x1;
	_ =	shalt  }
.Lfunc_end1:
_tile_overlayer_lowered:
.L_overlay_start_2:
0x60: {  	(tag) =	ssettag $0x2  }
0x61: {  	s0 =	rddreg [dreg:$0x0];
	s2 =	stileid.u32  }
0x62: {  	s1 =	rddreg [dreg:$0x1];
	p0 =	sne.s32 s2, $0x0  }
0x63: {  	s3 =	rddreg [dreg:$0x2];
	[bflag:$0x3] =	sbarrier.arrive $0xFFFF;
	s2 =	simm.s32 @!p0 $0x1C01  }
0x64: {  	[timem:s3], [sflag:s2] =	dma.local @!p0 [hbm:s0], s1  }
0x65: {  	s0 =	simm.s32 @!p0 $0x1  }
0x66: {  	_ =	swait.ge @!p0 [sflag:s0], s1  }
0x67: {  	s1 =	ssub.s32 @!p0 $0x0, s1;
	[sflag:s0] =	ssyncset.done @!p0 $0x0  }
0x68: {  	[sflag:s0] =	ssyncadd.s32 @!p0 s1  }
0x69: {  	[bflag:$0x3] =	sbarrier.arrive $0xFFFF  }
0x6a: {  	_ =	shalt  }

</sc_bundles>
